<compile_context>
chip_gen: v7x
topology: tpu7x:2x2x1
jax: 0.10.2.dev20260603
libtpu: 0.0.44.dev20260713+nightly
codegen_flags: <defaults>
</compile_context>

<pallas_src>
import functools

import jax
import jax.numpy as jnp
from jax import lax
from jax.experimental import pallas as pl
from jax.experimental.pallas import tpu as pltpu
from jax.experimental.pallas import tpu_sc as plsc

N_TOK = 2048
N_E = 1024
E_DIM = 256
ALPHA = 0.9

K_CAND = 8
BI = 256
NBI = N_TOK // BI
NC = E_DIM // 8


def _score_body(x_ref, wt_ref, cand_ref, wn_ref):
    b = pl.program_id(0)
    xb = x_ref[...]
    wtb = wt_ref[...]

    @pl.when(b == 0)
    def _():
        wn_ref[...] = jnp.sum(wtb * wtb, axis=0, keepdims=True)

    mm = lax.dot_general(xb, wtb, (((1,), (0,)), ((), ())),
                         preferred_element_type=jnp.float32,
                         precision=lax.Precision.HIGHEST)
    score = wn_ref[...] - (mm + mm)
    iota = lax.broadcasted_iota(jnp.int32, (BI, N_E), 1)
    keys = (lax.bitcast_convert_type(score + 1.0, jnp.int32) &
            jnp.int32(~1023)) | iota
    cols = []
    for _ in range(K_CAND):
        m = jnp.min(keys, axis=1)
        cols.append((m & jnp.int32(1023))[:, None])
        keys = jnp.where(keys == m[:, None], jnp.int32(2**31 - 1), keys)
    cand_ref[...] = jnp.concatenate(cols, axis=1)


def _topk_scores(x, wt):
    return pl.pallas_call(
        _score_body,
        grid=(NBI,),
        in_specs=[
            pl.BlockSpec((BI, E_DIM), lambda b: (b, 0)),
            pl.BlockSpec((E_DIM, N_E), lambda b: (0, 0)),
        ],
        out_specs=pl.BlockSpec((BI, K_CAND), lambda b: (b, 0)),
        out_shape=jax.ShapeDtypeStruct((N_TOK, K_CAND), jnp.int32),
        scratch_shapes=[pltpu.VMEM((1, N_E), jnp.float32)],
    )(x, wt)


def _tree_body(xt_ref, wgt_ref, candt_ref, j_ref, loss_ref, dis_ref):
    k = pl.program_id(0)
    xb = xt_ref[...]
    wb = wgt_ref[...]

    acc = jnp.zeros((8, N_TOK), jnp.float32)
    for c in range(NC):
        row = slice(8 * c, 8 * c + 8)
        d = wb[row, :] - xb[row, :]
        t = d * d
        u = t + jnp.roll(t, 4, axis=0)
        v = u + jnp.roll(u, 2, axis=0)
        w = v + jnp.roll(v, 1, axis=0)
        acc = acc + w
    dis_ref[pl.ds(k, 1), :] = acc[0:1, :]

    @pl.when(k == K_CAND - 1)
    def _():
        dis = dis_ref[...]
        mv = jnp.min(dis, axis=0)
        hit = jnp.where(dis == mv[None, :], candt_ref[...], jnp.int32(N_E))
        j_ref[...] = jnp.min(hit, axis=0)
        loss_ref[0, 0] = jnp.sum(mv) * ((1.0 + ALPHA) / N_TOK)


def _tree_argmin(xt, wgt, candt):
    return pl.pallas_call(
        _tree_body,
        grid=(K_CAND,),
        in_specs=[
            pl.BlockSpec((E_DIM, N_TOK), lambda k: (0, 0)),
            pl.BlockSpec((E_DIM, N_TOK), lambda k: (0, k)),
            pl.BlockSpec((K_CAND, N_TOK), lambda k: (0, 0)),
        ],
        out_specs=[
            pl.BlockSpec((N_TOK,), lambda k: (0,)),
            pl.BlockSpec(memory_space=pltpu.SMEM, block_shape=(1, 1),
                         index_map=lambda k: (0, 0)),
        ],
        out_shape=[
            jax.ShapeDtypeStruct((N_TOK,), jnp.int32),
            jax.ShapeDtypeStruct((1, 1), jnp.float32),
        ],
        scratch_shapes=[pltpu.VMEM((K_CAND, N_TOK), jnp.float32)],
    )(xt, wgt, candt)


def _sc_gather(W, j, rows_per_chunk=64):
    B = j.shape[0]
    info = plsc.get_sparse_core_info()
    ncores, nsub = info.num_cores, info.num_subcores
    nw = ncores * nsub
    bpw = B // nw
    nch = bpw // rows_per_chunk
    mesh = plsc.VectorSubcoreMesh(core_axis_name="c", subcore_axis_name="s")

    @functools.partial(
        pl.kernel,
        mesh=mesh,
        out_type=jax.ShapeDtypeStruct((B, E_DIM), jnp.float32),
        scratch_types=[
            pltpu.VMEM((bpw,), jnp.int32),
            pltpu.VMEM((rows_per_chunk, E_DIM), jnp.float32),
            pltpu.VMEM((rows_per_chunk, E_DIM), jnp.float32),
            pltpu.SemaphoreType.DMA,
            pltpu.SemaphoreType.DMA,
            pltpu.SemaphoreType.DMA,
            pltpu.SemaphoreType.DMA,
        ],
    )
    def gather_k(w_hbm, idx_hbm, out_hbm, idx_v, rv0, rv1, g0, g1, w0, w1):
        wid = lax.axis_index("s") * ncores + lax.axis_index("c")
        base = wid * bpw
        pltpu.sync_copy(idx_hbm.at[pl.ds(base, bpw)], idx_v)
        bufs = (rv0, rv1)
        gsems = (g0, g1)
        wsems = (w0, w1)
        gops = [None] * nch
        wops = [None] * nch
        for h in range(nch):
            c = h % 2
            if h >= 2:
                wops[h - 2].wait()
            gops[h] = pltpu.async_copy(
                w_hbm.at[idx_v.at[pl.ds(h * rows_per_chunk,
                                        rows_per_chunk)]],
                bufs[c], gsems[c])
            gops[h].wait()
            wops[h] = pltpu.async_copy(
                bufs[c],
                out_hbm.at[pl.ds(base + h * rows_per_chunk,
                                 rows_per_chunk)],
                wsems[c])
        for h in range(max(0, nch - 2), nch):
            wops[h].wait()

    return gather_k(W, j)


def kernel(x, W):
    xt = x.T
    wt = W.T
    cand = _topk_scores(x, wt)
    candt = cand.T
    wg = _sc_gather(W, candt.reshape(-1), rows_per_chunk=128)
    wgt = wg.T
    j, loss = _tree_argmin(xt, wgt, candt)
    W_j = _sc_gather(W, j, rows_per_chunk=64)
    return (W_j, loss.reshape(()))

# --- scband reference (transcript-rebuilt; emitter-appended) ---
"""Pipeline reference for scband-quantize-575525618270 (READ-ONLY COPY).

The authoritative reference and input builder live on the scoring server;
editing this copy changes nothing except your own understanding.
"""

import jax, jax.numpy as jnp
import numpy as np

N_E = 1024
E_DIM = 256
ALPHA = 0.9


def setup_inputs(seed: int = 0) -> dict:
    key = jax.random.key(seed)
    k1, k2 = jax.random.split(key)
    x = jax.random.normal(k1, (2048, E_DIM), dtype=jnp.float32)
    initrange = 1.0 / N_E
    W = jax.random.uniform(k2, (N_E, E_DIM), minval=-initrange, maxval=initrange, dtype=jnp.float32)
    return {"x": x, "W": W}


def reference(x, W):
    # distance(Z): L2_dist(W.unsqueeze(0).transpose(-1,-2), Z.unsqueeze(-1)).sum(1).squeeze()
    # W^T broadcast: [1, e_dim, n_e] vs Z: [N, e_dim, 1] -> [N, e_dim, n_e] -> sum over e_dim -> [N, n_e]
    dis = jnp.sum((jnp.transpose(W)[None, :, :] - x[:, :, None]) ** 2, axis=1)
    j = jnp.argmin(dis, axis=1)
    W_j = jnp.take(W, j, axis=0)
    x_sg = jax.lax.stop_gradient(x)
    W_j_sg = jax.lax.stop_gradient(W_j)
    diff = jnp.mean(jnp.sum((x - W_j_sg) ** 2, axis=1)) + ALPHA * jnp.mean(jnp.sum((x_sg - W_j) ** 2, axis=1))
    return (W_j, diff)

if __name__ == "__main__":
    import jax
    _d = setup_inputs()
    print(jax.jit(kernel)(*tuple(_d.values())))

</pallas_src>

<mosaic_0001>
#map = affine_map<(d0, d1) -> (0, 0)>
#map1 = affine_map<(d0, d1) -> (0)>
module attributes {stable_mosaic.version = 14 : i64} {
  func.func @gather_k(%arg0: i32, %arg1: i32, %arg2: memref<1024x256xf32, #tpu.memory_space<hbm>>, %arg3: memref<2048xi32, #tpu.memory_space<hbm>>, %arg4: memref<2048x256xf32, #tpu.memory_space<hbm>>, %arg5: memref<64xi32, #tpu.memory_space<vmem>>, %arg6: memref<64x256xf32, #tpu.memory_space<vmem>>, %arg7: memref<64x256xf32, #tpu.memory_space<vmem>>, %arg8: memref<!tpu.dma_semaphore, #tpu.memory_space<semaphore_mem>>, %arg9: memref<!tpu.dma_semaphore, #tpu.memory_space<semaphore_mem>>, %arg10: memref<!tpu.dma_semaphore, #tpu.memory_space<semaphore_mem>>, %arg11: memref<!tpu.dma_semaphore, #tpu.memory_space<semaphore_mem>>) attributes {dimension_semantics = [#tpu.dimension_semantics<core_parallel>, #tpu.dimension_semantics<subcore_parallel>], iteration_bounds = array<i64: 2, 16>, scalar_prefetch = 0 : i64, scratch_operands = 7 : i64, tpu.core_type = #tpu.core_type<sc_vector_subcore>, window_params = [{transform_indices = #map}, {transform_indices = #map1}, {transform_indices = #map}]} {
    %mul3A = arith.constant 2 : i32
    %mul3A_0 = arith.muli %arg1, %mul3A : i32
    %add3A = arith.addi %mul3A_0, %arg0 : i32
    %mul3A_1 = arith.constant 64 : i32
    %mul3A_2 = arith.muli %add3A, %mul3A_1 : i32
    "tpu.region"() ({
      %run_scoped3A = tpu.sem_alloc : memref<!tpu.dma_semaphore, #tpu.memory_space<semaphore_mem>>
      %dma_start3A_21 = tpu.memref_slice %arg3[%mul3A_2] : memref<2048xi32, #tpu.memory_space<hbm>> -> memref<64xi32, #tpu.memory_space<hbm>>
      %dma_start3A_22 = tpu.memref_slice %arg3[%mul3A_2] : memref<2048xi32, #tpu.memory_space<hbm>> -> memref<64xi32, #tpu.memory_space<hbm>>
      tpu.enqueue_dma source(%dma_start3A_22 : memref<64xi32, #tpu.memory_space<hbm>>) target(%arg5 : memref<64xi32, #tpu.memory_space<vmem>>) target_semaphore(%run_scoped3A : memref<!tpu.dma_semaphore, #tpu.memory_space<semaphore_mem>>)
      %dma_wait3A_23 = tpu.memref_slice %arg3[%mul3A_2] : memref<2048xi32, #tpu.memory_space<hbm>> -> memref<64xi32, #tpu.memory_space<hbm>>
      %dma_wait3A_24 = tpu.memref_slice %arg3[%mul3A_2] : memref<2048xi32, #tpu.memory_space<hbm>> -> memref<64xi32, #tpu.memory_space<hbm>>
      tpu.wait_dma2 semaphore(%run_scoped3A : memref<!tpu.dma_semaphore, #tpu.memory_space<semaphore_mem>>) src(%dma_wait3A_24 : memref<64xi32, #tpu.memory_space<hbm>>) dst(%arg5 : memref<64xi32, #tpu.memory_space<vmem>>)
      tpu.yield
    }) : () -> ()
    %dma_start3A = arith.constant 0 : i32
    %dma_start3A_3 = tpu.memref_slice %arg5[%dma_start3A] : memref<64xi32, #tpu.memory_space<vmem>> -> memref<64xi32, #tpu.memory_space<vmem>>
    %dma_start3A_4 = arith.constant 0 : i32
    %dma_start3A_5 = arith.constant 0 : i32
    %dma_start3A_6 = tpu.memref_slice %arg2[%dma_start3A_4, %dma_start3A_5] : memref<1024x256xf32, #tpu.memory_space<hbm>> -> memref<1024x256xf32, #tpu.memory_space<hbm>>
    tpu.enqueue_indirect_dma source(%dma_start3A_6 : memref<1024x256xf32, #tpu.memory_space<hbm>>) target(%arg6 : memref<64x256xf32, #tpu.memory_space<vmem>>) offsets(%dma_start3A_3 : memref<64xi32, #tpu.memory_space<vmem>>) semaphore(%arg8 : memref<!tpu.dma_semaphore, #tpu.memory_space<semaphore_mem>>)
    %dma_wait3A = arith.constant 0 : i32
    %dma_wait3A_7 = tpu.memref_slice %arg5[%dma_wait3A] : memref<64xi32, #tpu.memory_space<vmem>> -> memref<64xi32, #tpu.memory_space<vmem>>
    %dma_wait3A_8 = arith.constant 0 : i32
    %dma_wait3A_9 = arith.constant 0 : i32
    %dma_wait3A_10 = tpu.memref_slice %arg2[%dma_wait3A_8, %dma_wait3A_9] : memref<1024x256xf32, #tpu.memory_space<hbm>> -> memref<1024x256xf32, #tpu.memory_space<hbm>>
    tpu.wait_indirect_dma semaphore(%arg8 : memref<!tpu.dma_semaphore, #tpu.memory_space<semaphore_mem>>) src(%dma_wait3A_10 : memref<1024x256xf32, #tpu.memory_space<hbm>>) dst(%arg6 : memref<64x256xf32, #tpu.memory_space<vmem>>)
    %add3A_11 = arith.constant 0 : i32
    %add3A_12 = arith.addi %mul3A_2, %add3A_11 : i32
    %dma_start3A_13 = arith.constant 0 : i32
    %dma_start3A_14 = tpu.memref_slice %arg4[%add3A_12, %dma_start3A_13] : memref<2048x256xf32, #tpu.memory_space<hbm>> -> memref<64x256xf32, #tpu.memory_space<hbm>>
    %dma_start3A_15 = arith.constant 0 : i32
    %dma_start3A_16 = tpu.memref_slice %arg4[%add3A_12, %dma_start3A_15] : memref<2048x256xf32, #tpu.memory_space<hbm>> -> memref<64x256xf32, #tpu.memory_space<hbm>>
    tpu.enqueue_dma source(%arg6 : memref<64x256xf32, #tpu.memory_space<vmem>>) target(%dma_start3A_16 : memref<64x256xf32, #tpu.memory_space<hbm>>) target_semaphore(%arg10 : memref<!tpu.dma_semaphore, #tpu.memory_space<semaphore_mem>>)
    %dma_wait3A_17 = arith.constant 0 : i32
    %dma_wait3A_18 = tpu.memref_slice %arg4[%add3A_12, %dma_wait3A_17] : memref<2048x256xf32, #tpu.memory_space<hbm>> -> memref<64x256xf32, #tpu.memory_space<hbm>>
    %dma_wait3A_19 = arith.constant 0 : i32
    %dma_wait3A_20 = tpu.memref_slice %arg4[%add3A_12, %dma_wait3A_19] : memref<2048x256xf32, #tpu.memory_space<hbm>> -> memref<64x256xf32, #tpu.memory_space<hbm>>
    tpu.wait_dma2 semaphore(%arg10 : memref<!tpu.dma_semaphore, #tpu.memory_space<semaphore_mem>>) src(%arg6 : memref<64x256xf32, #tpu.memory_space<vmem>>) dst(%dma_wait3A_20 : memref<64x256xf32, #tpu.memory_space<hbm>>)
    return
  }
}

#map = affine_map<(d0, d1) -> (0, 0)>
#map1 = affine_map<(d0, d1) -> (0)>
module attributes {stable_mosaic.version = 14 : i64} {
  func.func @gather_k(%arg0: i32, %arg1: i32, %arg2: memref<1024x256xf32, #tpu.memory_space<hbm>>, %arg3: memref<16384xi32, #tpu.memory_space<hbm>>, %arg4: memref<16384x256xf32, #tpu.memory_space<hbm>>, %arg5: memref<512xi32, #tpu.memory_space<vmem>>, %arg6: memref<128x256xf32, #tpu.memory_space<vmem>>, %arg7: memref<128x256xf32, #tpu.memory_space<vmem>>, %arg8: memref<!tpu.dma_semaphore, #tpu.memory_space<semaphore_mem>>, %arg9: memref<!tpu.dma_semaphore, #tpu.memory_space<semaphore_mem>>, %arg10: memref<!tpu.dma_semaphore, #tpu.memory_space<semaphore_mem>>, %arg11: memref<!tpu.dma_semaphore, #tpu.memory_space<semaphore_mem>>) attributes {dimension_semantics = [#tpu.dimension_semantics<core_parallel>, #tpu.dimension_semantics<subcore_parallel>], iteration_bounds = array<i64: 2, 16>, scalar_prefetch = 0 : i64, scratch_operands = 7 : i64, tpu.core_type = #tpu.core_type<sc_vector_subcore>, window_params = [{transform_indices = #map}, {transform_indices = #map1}, {transform_indices = #map}]} {
    %mul3A = arith.constant 2 : i32
    %mul3A_0 = arith.muli %arg1, %mul3A : i32
    %add3A = arith.addi %mul3A_0, %arg0 : i32
    %mul3A_1 = arith.constant 512 : i32
    %mul3A_2 = arith.muli %add3A, %mul3A_1 : i32
    "tpu.region"() ({
      %run_scoped3A = tpu.sem_alloc : memref<!tpu.dma_semaphore, #tpu.memory_space<semaphore_mem>>
      %dma_start3A_81 = tpu.memref_slice %arg3[%mul3A_2] : memref<16384xi32, #tpu.memory_space<hbm>> -> memref<512xi32, #tpu.memory_space<hbm>>
      %dma_start3A_82 = tpu.memref_slice %arg3[%mul3A_2] : memref<16384xi32, #tpu.memory_space<hbm>> -> memref<512xi32, #tpu.memory_space<hbm>>
      tpu.enqueue_dma source(%dma_start3A_82 : memref<512xi32, #tpu.memory_space<hbm>>) target(%arg5 : memref<512xi32, #tpu.memory_space<vmem>>) target_semaphore(%run_scoped3A : memref<!tpu.dma_semaphore, #tpu.memory_space<semaphore_mem>>)
      %dma_wait3A_83 = tpu.memref_slice %arg3[%mul3A_2] : memref<16384xi32, #tpu.memory_space<hbm>> -> memref<512xi32, #tpu.memory_space<hbm>>
      %dma_wait3A_84 = tpu.memref_slice %arg3[%mul3A_2] : memref<16384xi32, #tpu.memory_space<hbm>> -> memref<512xi32, #tpu.memory_space<hbm>>
      tpu.wait_dma2 semaphore(%run_scoped3A : memref<!tpu.dma_semaphore, #tpu.memory_space<semaphore_mem>>) src(%dma_wait3A_84 : memref<512xi32, #tpu.memory_space<hbm>>) dst(%arg5 : memref<512xi32, #tpu.memory_space<vmem>>)
      tpu.yield
    }) : () -> ()
    %dma_start3A = arith.constant 0 : i32
    %dma_start3A_3 = tpu.memref_slice %arg5[%dma_start3A] : memref<512xi32, #tpu.memory_space<vmem>> -> memref<128xi32, #tpu.memory_space<vmem>>
    %dma_start3A_4 = arith.constant 0 : i32
    %dma_start3A_5 = arith.constant 0 : i32
    %dma_start3A_6 = tpu.memref_slice %arg2[%dma_start3A_4, %dma_start3A_5] : memref<1024x256xf32, #tpu.memory_space<hbm>> -> memref<1024x256xf32, #tpu.memory_space<hbm>>
    tpu.enqueue_indirect_dma source(%dma_start3A_6 : memref<1024x256xf32, #tpu.memory_space<hbm>>) target(%arg6 : memref<128x256xf32, #tpu.memory_space<vmem>>) offsets(%dma_start3A_3 : memref<128xi32, #tpu.memory_space<vmem>>) semaphore(%arg8 : memref<!tpu.dma_semaphore, #tpu.memory_space<semaphore_mem>>)
    %dma_wait3A = arith.constant 0 : i32
    %dma_wait3A_7 = tpu.memref_slice %arg5[%dma_wait3A] : memref<512xi32, #tpu.memory_space<vmem>> -> memref<128xi32, #tpu.memory_space<vmem>>
    %dma_wait3A_8 = arith.constant 0 : i32
    %dma_wait3A_9 = arith.constant 0 : i32
    %dma_wait3A_10 = tpu.memref_slice %arg2[%dma_wait3A_8, %dma_wait3A_9] : memref<1024x256xf32, #tpu.memory_space<hbm>> -> memref<1024x256xf32, #tpu.memory_space<hbm>>
    tpu.wait_indirect_dma semaphore(%arg8 : memref<!tpu.dma_semaphore, #tpu.memory_space<semaphore_mem>>) src(%dma_wait3A_10 : memref<1024x256xf32, #tpu.memory_space<hbm>>) dst(%arg6 : memref<128x256xf32, #tpu.memory_space<vmem>>)
    %add3A_11 = arith.constant 0 : i32
    %add3A_12 = arith.addi %mul3A_2, %add3A_11 : i32
    %dma_start3A_13 = arith.constant 0 : i32
    %dma_start3A_14 = tpu.memref_slice %arg4[%add3A_12, %dma_start3A_13] : memref<16384x256xf32, #tpu.memory_space<hbm>> -> memref<128x256xf32, #tpu.memory_space<hbm>>
    %dma_start3A_15 = arith.constant 0 : i32
    %dma_start3A_16 = tpu.memref_slice %arg4[%add3A_12, %dma_start3A_15] : memref<16384x256xf32, #tpu.memory_space<hbm>> -> memref<128x256xf32, #tpu.memory_space<hbm>>
    tpu.enqueue_dma source(%arg6 : memref<128x256xf32, #tpu.memory_space<vmem>>) target(%dma_start3A_16 : memref<128x256xf32, #tpu.memory_space<hbm>>) target_semaphore(%arg10 : memref<!tpu.dma_semaphore, #tpu.memory_space<semaphore_mem>>)
    %dma_start3A_17 = arith.constant 128 : i32
    %dma_start3A_18 = tpu.memref_slice %arg5[%dma_start3A_17] : memref<512xi32, #tpu.memory_space<vmem>> -> memref<128xi32, #tpu.memory_space<vmem>>
    %dma_start3A_19 = arith.constant 0 : i32
    %dma_start3A_20 = arith.constant 0 : i32
    %dma_start3A_21 = tpu.memref_slice %arg2[%dma_start3A_19, %dma_start3A_20] : memref<1024x256xf32, #tpu.memory_space<hbm>> -> memref<1024x256xf32, #tpu.memory_space<hbm>>
    tpu.enqueue_indirect_dma source(%dma_start3A_21 : memref<1024x256xf32, #tpu.memory_space<hbm>>) target(%arg7 : memref<128x256xf32, #tpu.memory_space<vmem>>) offsets(%dma_start3A_18 : memref<128xi32, #tpu.memory_space<vmem>>) semaphore(%arg9 : memref<!tpu.dma_semaphore, #tpu.memory_space<semaphore_mem>>)
    %dma_wait3A_22 = arith.constant 128 : i32
    %dma_wait3A_23 = tpu.memref_slice %arg5[%dma_wait3A_22] : memref<512xi32, #tpu.memory_space<vmem>> -> memref<128xi32, #tpu.memory_space<vmem>>
    %dma_wait3A_24 = arith.constant 0 : i32
    %dma_wait3A_25 = arith.constant 0 : i32
    %dma_wait3A_26 = tpu.memref_slice %arg2[%dma_wait3A_24, %dma_wait3A_25] : memref<1024x256xf32, #tpu.memory_space<hbm>> -> memref<1024x256xf32, #tpu.memory_space<hbm>>
    tpu.wait_indirect_dma semaphore(%arg9 : memref<!tpu.dma_semaphore, #tpu.memory_space<semaphore_mem>>) src(%dma_wait3A_26 : memref<1024x256xf32, #tpu.memory_space<hbm>>) dst(%arg7 : memref<128x256xf32, #tpu.memory_space<vmem>>)
    %add3A_27 = arith.constant 128 : i32
    %add3A_28 = arith.addi %mul3A_2, %add3A_27 : i32
    %dma_start3A_29 = arith.constant 0 : i32
    %dma_start3A_30 = tpu.memref_slice %arg4[%add3A_28, %dma_start3A_29] : memref<16384x256xf32, #tpu.memory_space<hbm>> -> memref<128x256xf32, #tpu.memory_space<hbm>>
    %dma_start3A_31 = arith.constant 0 : i32
    %dma_start3A_32 = tpu.memref_slice %arg4[%add3A_28, %dma_start3A_31] : memref<16384x256xf32, #tpu.memory_space<hbm>> -> memref<128x256xf32, #tpu.memory_space<hbm>>
    tpu.enqueue_dma source(%arg7 : memref<128x256xf32, #tpu.memory_space<vmem>>) target(%dma_start3A_32 : memref<128x256xf32, #tpu.memory_space<hbm>>) target_semaphore(%arg11 : memref<!tpu.dma_semaphore, #tpu.memory_space<semaphore_mem>>)
    %dma_wait3A_33 = arith.constant 0 : i32
    %dma_wait3A_34 = tpu.memref_slice %arg4[%add3A_12, %dma_wait3A_33] : memref<16384x256xf32, #tpu.memory_space<hbm>> -> memref<128x256xf32, #tpu.memory_space<hbm>>
    %dma_wait3A_35 = arith.constant 0 : i32
    %dma_wait3A_36 = tpu.memref_slice %arg4[%add3A_12, %dma_wait3A_35] : memref<16384x256xf32, #tpu.memory_space<hbm>> -> memref<128x256xf32, #tpu.memory_space<hbm>>
    tpu.wait_dma2 semaphore(%arg10 : memref<!tpu.dma_semaphore, #tpu.memory_space<semaphore_mem>>) src(%arg6 : memref<128x256xf32, #tpu.memory_space<vmem>>) dst(%dma_wait3A_36 : memref<128x256xf32, #tpu.memory_space<hbm>>)
    %dma_start3A_37 = arith.constant 256 : i32
    %dma_start3A_38 = tpu.memref_slice %arg5[%dma_start3A_37] : memref<512xi32, #tpu.memory_space<vmem>> -> memref<128xi32, #tpu.memory_space<vmem>>
    %dma_start3A_39 = arith.constant 0 : i32
    %dma_start3A_40 = arith.constant 0 : i32
    %dma_start3A_41 = tpu.memref_slice %arg2[%dma_start3A_39, %dma_start3A_40] : memref<1024x256xf32, #tpu.memory_space<hbm>> -> memref<1024x256xf32, #tpu.memory_space<hbm>>
    tpu.enqueue_indirect_dma source(%dma_start3A_41 : memref<1024x256xf32, #tpu.memory_space<hbm>>) target(%arg6 : memref<128x256xf32, #tpu.memory_space<vmem>>) offsets(%dma_start3A_38 : memref<128xi32, #tpu.memory_space<vmem>>) semaphore(%arg8 : memref<!tpu.dma_semaphore, #tpu.memory_space<semaphore_mem>>)
    %dma_wait3A_42 = arith.constant 256 : i32
    %dma_wait3A_43 = tpu.memref_slice %arg5[%dma_wait3A_42] : memref<512xi32, #tpu.memory_space<vmem>> -> memref<128xi32, #tpu.memory_space<vmem>>
    %dma_wait3A_44 = arith.constant 0 : i32
    %dma_wait3A_45 = arith.constant 0 : i32
    %dma_wait3A_46 = tpu.memref_slice %arg2[%dma_wait3A_44, %dma_wait3A_45] : memref<1024x256xf32, #tpu.memory_space<hbm>> -> memref<1024x256xf32, #tpu.memory_space<hbm>>
    tpu.wait_indirect_dma semaphore(%arg8 : memref<!tpu.dma_semaphore, #tpu.memory_space<semaphore_mem>>) src(%dma_wait3A_46 : memref<1024x256xf32, #tpu.memory_space<hbm>>) dst(%arg6 : memref<128x256xf32, #tpu.memory_space<vmem>>)
    %add3A_47 = arith.constant 256 : i32
    %add3A_48 = arith.addi %mul3A_2, %add3A_47 : i32
    %dma_start3A_49 = arith.constant 0 : i32
    %dma_start3A_50 = tpu.memref_slice %arg4[%add3A_48, %dma_start3A_49] : memref<16384x256xf32, #tpu.memory_space<hbm>> -> memref<128x256xf32, #tpu.memory_space<hbm>>
    %dma_start3A_51 = arith.constant 0 : i32
    %dma_start3A_52 = tpu.memref_slice %arg4[%add3A_48, %dma_start3A_51] : memref<16384x256xf32, #tpu.memory_space<hbm>> -> memref<128x256xf32, #tpu.memory_space<hbm>>
    tpu.enqueue_dma source(%arg6 : memref<128x256xf32, #tpu.memory_space<vmem>>) target(%dma_start3A_52 : memref<128x256xf32, #tpu.memory_space<hbm>>) target_semaphore(%arg10 : memref<!tpu.dma_semaphore, #tpu.memory_space<semaphore_mem>>)
    %dma_wait3A_53 = arith.constant 0 : i32
    %dma_wait3A_54 = tpu.memref_slice %arg4[%add3A_28, %dma_wait3A_53] : memref<16384x256xf32, #tpu.memory_space<hbm>> -> memref<128x256xf32, #tpu.memory_space<hbm>>
    %dma_wait3A_55 = arith.constant 0 : i32
    %dma_wait3A_56 = tpu.memref_slice %arg4[%add3A_28, %dma_wait3A_55] : memref<16384x256xf32, #tpu.memory_space<hbm>> -> memref<128x256xf32, #tpu.memory_space<hbm>>
    tpu.wait_dma2 semaphore(%arg11 : memref<!tpu.dma_semaphore, #tpu.memory_space<semaphore_mem>>) src(%arg7 : memref<128x256xf32, #tpu.memory_space<vmem>>) dst(%dma_wait3A_56 : memref<128x256xf32, #tpu.memory_space<hbm>>)
    %dma_start3A_57 = arith.constant 384 : i32
    %dma_start3A_58 = tpu.memref_slice %arg5[%dma_start3A_57] : memref<512xi32, #tpu.memory_space<vmem>> -> memref<128xi32, #tpu.memory_space<vmem>>
    %dma_start3A_59 = arith.constant 0 : i32
    %dma_start3A_60 = arith.constant 0 : i32
    %dma_start3A_61 = tpu.memref_slice %arg2[%dma_start3A_59, %dma_start3A_60] : memref<1024x256xf32, #tpu.memory_space<hbm>> -> memref<1024x256xf32, #tpu.memory_space<hbm>>
    tpu.enqueue_indirect_dma source(%dma_start3A_61 : memref<1024x256xf32, #tpu.memory_space<hbm>>) target(%arg7 : memref<128x256xf32, #tpu.memory_space<vmem>>) offsets(%dma_start3A_58 : memref<128xi32, #tpu.memory_space<vmem>>) semaphore(%arg9 : memref<!tpu.dma_semaphore, #tpu.memory_space<semaphore_mem>>)
    %dma_wait3A_62 = arith.constant 384 : i32
    %dma_wait3A_63 = tpu.memref_slice %arg5[%dma_wait3A_62] : memref<512xi32, #tpu.memory_space<vmem>> -> memref<128xi32, #tpu.memory_space<vmem>>
    %dma_wait3A_64 = arith.constant 0 : i32
    %dma_wait3A_65 = arith.constant 0 : i32
    %dma_wait3A_66 = tpu.memref_slice %arg2[%dma_wait3A_64, %dma_wait3A_65] : memref<1024x256xf32, #tpu.memory_space<hbm>> -> memref<1024x256xf32, #tpu.memory_space<hbm>>
    tpu.wait_indirect_dma semaphore(%arg9 : memref<!tpu.dma_semaphore, #tpu.memory_space<semaphore_mem>>) src(%dma_wait3A_66 : memref<1024x256xf32, #tpu.memory_space<hbm>>) dst(%arg7 : memref<128x256xf32, #tpu.memory_space<vmem>>)
    %add3A_67 = arith.constant 384 : i32
    %add3A_68 = arith.addi %mul3A_2, %add3A_67 : i32
    %dma_start3A_69 = arith.constant 0 : i32
    %dma_start3A_70 = tpu.memref_slice %arg4[%add3A_68, %dma_start3A_69] : memref<16384x256xf32, #tpu.memory_space<hbm>> -> memref<128x256xf32, #tpu.memory_space<hbm>>
    %dma_start3A_71 = arith.constant 0 : i32
    %dma_start3A_72 = tpu.memref_slice %arg4[%add3A_68, %dma_start3A_71] : memref<16384x256xf32, #tpu.memory_space<hbm>> -> memref<128x256xf32, #tpu.memory_space<hbm>>
    tpu.enqueue_dma source(%arg7 : memref<128x256xf32, #tpu.memory_space<vmem>>) target(%dma_start3A_72 : memref<128x256xf32, #tpu.memory_space<hbm>>) target_semaphore(%arg11 : memref<!tpu.dma_semaphore, #tpu.memory_space<semaphore_mem>>)
    %dma_wait3A_73 = arith.constant 0 : i32
    %dma_wait3A_74 = tpu.memref_slice %arg4[%add3A_48, %dma_wait3A_73] : memref<16384x256xf32, #tpu.memory_space<hbm>> -> memref<128x256xf32, #tpu.memory_space<hbm>>
    %dma_wait3A_75 = arith.constant 0 : i32
    %dma_wait3A_76 = tpu.memref_slice %arg4[%add3A_48, %dma_wait3A_75] : memref<16384x256xf32, #tpu.memory_space<hbm>> -> memref<128x256xf32, #tpu.memory_space<hbm>>
    tpu.wait_dma2 semaphore(%arg10 : memref<!tpu.dma_semaphore, #tpu.memory_space<semaphore_mem>>) src(%arg6 : memref<128x256xf32, #tpu.memory_space<vmem>>) dst(%dma_wait3A_76 : memref<128x256xf32, #tpu.memory_space<hbm>>)
    %dma_wait3A_77 = arith.constant 0 : i32
    %dma_wait3A_78 = tpu.memref_slice %arg4[%add3A_68, %dma_wait3A_77] : memref<16384x256xf32, #tpu.memory_space<hbm>> -> memref<128x256xf32, #tpu.memory_space<hbm>>
    %dma_wait3A_79 = arith.constant 0 : i32
    %dma_wait3A_80 = tpu.memref_slice %arg4[%add3A_68, %dma_wait3A_79] : memref<16384x256xf32, #tpu.memory_space<hbm>> -> memref<128x256xf32, #tpu.memory_space<hbm>>
    tpu.wait_dma2 semaphore(%arg11 : memref<!tpu.dma_semaphore, #tpu.memory_space<semaphore_mem>>) src(%arg7 : memref<128x256xf32, #tpu.memory_space<vmem>>) dst(%dma_wait3A_80 : memref<128x256xf32, #tpu.memory_space<hbm>>)
    return
  }
}

module attributes {stable_mosaic.version = 14 : i64} {
  func.func @_score_body(%arg0: i32, %arg1: memref<256x256xf32, #tpu.memory_space<vmem>>, %arg2: memref<256x1024xf32, #tpu.memory_space<vmem>>, %arg3: memref<256x8xi32, #tpu.memory_space<vmem>>, %arg4: memref<1x1024xf32, #tpu.memory_space<vmem>>) attributes {dimension_semantics = [#tpu.dimension_semantics<arbitrary>], iteration_bounds = array<i64: 8>, scalar_prefetch = 0 : i64, scratch_operands = 1 : i64, tpu.core_type = #tpu.core_type<tc>, window_params = [{transform_indices = @transform_0, window_bounds = array<i64: 256, 256>}, {pipeline_mode = #tpu.pipeline_mode<synchronous>, transform_indices = @transform_1, window_bounds = array<i64: 256, 1024>}, {transform_indices = @transform_2, window_bounds = array<i64: 256, 8>}]} {
    %get3A = arith.constant 0 : index
    %get3A_0 = arith.constant 0 : index
    %get3A_1 = vector.load %arg1[%get3A, %get3A_0] : memref<256x256xf32, #tpu.memory_space<vmem>>, vector<256x256xf32>
    %get3A_2 = arith.constant 0 : index
    %get3A_3 = arith.constant 0 : index
    %get3A_4 = vector.load %arg2[%get3A_2, %get3A_3] : memref<256x1024xf32, #tpu.memory_space<vmem>>, vector<256x1024xf32>
    %eq3A = arith.constant 0 : i32
    %eq3A_5 = arith.cmpi eq, %arg0, %eq3A : i32
    %convert_element_type3A = arith.extui %eq3A_5 : i1 to i32
    %cond3A = arith.constant 0 : i32
    %cond3A_6 = arith.cmpi ne, %convert_element_type3A, %cond3A : i32
    scf.if %cond3A_6 {
      %mul3A = arith.mulf %get3A_4, %get3A_4 : vector<256x1024xf32>
      %reduce_sum3A = arith.constant dense<0.000000e+00> : vector<1024xf32>
      %reduce_sum3A_105 = vector.multi_reduction <add>, %mul3A, %reduce_sum3A [0] : vector<256x1024xf32> to vector<1024xf32>
      %broadcast_in_dim3A_106 = vector.shape_cast %reduce_sum3A_105 : vector<1024xf32> to vector<1x1024xf32>
      %swap3A_107 = arith.constant 0 : index
      %swap3A_108 = arith.constant 0 : index
      %swap3A_109 = vector.load %arg4[%swap3A_107, %swap3A_108] : memref<1x1024xf32, #tpu.memory_space<vmem>>, vector<1x1024xf32>
      tpu.vector_store %arg4[%swap3A_107, %swap3A_108], %broadcast_in_dim3A_106 {strides = array<i32>} : memref<1x1024xf32, #tpu.memory_space<vmem>>, vector<1x1024xf32>,
    } else {
    }
    %dot_general3A = arith.constant dense<0.000000e+00> : vector<256x1024xf32>
    %dot_general3A_7 = tpu.matmul %get3A_1, %get3A_4, %dot_general3A {dimension_numbers = #tpu.dot_dimension_numbers<[1], [0], [0], [1], [0, 0, 1, 1], [], []>, precision = #tpu.contract_precision<fp32>, transpose_lhs_hint = false} : vector<256x256xf32>, vector<256x1024xf32>, vector<256x1024xf32> -> vector<256x1024xf32>
    %get3A_8 = arith.constant 0 : index
    %get3A_9 = arith.constant 0 : index
    %get3A_10 = vector.load %arg4[%get3A_8, %get3A_9] : memref<1x1024xf32, #tpu.memory_space<vmem>>, vector<1x1024xf32>
    %add3A = arith.addf %dot_general3A_7, %dot_general3A_7 : vector<256x1024xf32>
    %sub3A = vector.broadcast %get3A_10 : vector<1x1024xf32> to vector<256x1024xf32>
    %sub3A_11 = arith.subf %sub3A, %add3A : vector<256x1024xf32>
    %iota3A = tpu.iota {dimensions = array<i32: 1>} : vector<256x1024xi32>
    %add3A_12 = arith.constant 1.000000e+00 : f32
    %add3A_13 = vector.broadcast %add3A_12 : f32 to vector<256x1024xf32>
    %add3A_14 = arith.addf %sub3A_11, %add3A_13 : vector<256x1024xf32>
    %bitcast_convert_type3A = tpu.bitcast %add3A_14 : vector<256x1024xf32> -> vector<256x1024xi32>
    %and3A = arith.constant -1024 : i32
    %and3A_15 = vector.broadcast %and3A : i32 to vector<256x1024xi32>
    %and3A_16 = arith.andi %bitcast_convert_type3A, %and3A_15 : vector<256x1024xi32>
    %or3A = arith.ori %and3A_16, %iota3A : vector<256x1024xi32>
    %reduce_min3A = arith.constant dense<2147483647> : vector<256xi32>
    %reduce_min3A_17 = vector.multi_reduction <minsi>, %or3A, %reduce_min3A [1] : vector<256x1024xi32> to vector<256xi32>
    %and3A_18 = arith.constant 1023 : i32
    %and3A_19 = vector.broadcast %and3A_18 : i32 to vector<256xi32>
    %and3A_20 = arith.andi %reduce_min3A_17, %and3A_19 : vector<256xi32>
    %broadcast_in_dim3A = vector.shape_cast %and3A_20 : vector<256xi32> to vector<256x1xi32>
    %broadcast_in_dim3A_21 = vector.shape_cast %reduce_min3A_17 : vector<256xi32> to vector<256x1xi32>
    %eq3A_22 = vector.broadcast %broadcast_in_dim3A_21 : vector<256x1xi32> to vector<256x1024xi32>
    %eq3A_23 = arith.cmpi eq, %or3A, %eq3A_22 : vector<256x1024xi32>
    %jit3A = arith.constant 2147483647 : i32
    %broadcast_in_dim3A_24 = vector.broadcast %jit3A : i32 to vector<256x1024xi32>
    %select_n3A = arith.select %eq3A_23, %broadcast_in_dim3A_24, %or3A : vector<256x1024xi1>, vector<256x1024xi32>
    %reduce_min3A_25 = arith.constant dense<2147483647> : vector<256xi32>
    %reduce_min3A_26 = vector.multi_reduction <minsi>, %select_n3A, %reduce_min3A_25 [1] : vector<256x1024xi32> to vector<256xi32>
    %and3A_27 = arith.constant 1023 : i32
    %and3A_28 = vector.broadcast %and3A_27 : i32 to vector<256xi32>
    %and3A_29 = arith.andi %reduce_min3A_26, %and3A_28 : vector<256xi32>
    %broadcast_in_dim3A_30 = vector.shape_cast %and3A_29 : vector<256xi32> to vector<256x1xi32>
    %broadcast_in_dim3A_31 = vector.shape_cast %reduce_min3A_26 : vector<256xi32> to vector<256x1xi32>
    %eq3A_32 = vector.broadcast %broadcast_in_dim3A_31 : vector<256x1xi32> to vector<256x1024xi32>
    %eq3A_33 = arith.cmpi eq, %select_n3A, %eq3A_32 : vector<256x1024xi32>
    %jit3A_34 = arith.constant 2147483647 : i32
    %broadcast_in_dim3A_35 = vector.broadcast %jit3A_34 : i32 to vector<256x1024xi32>
    %select_n3A_36 = arith.select %eq3A_33, %broadcast_in_dim3A_35, %select_n3A : vector<256x1024xi1>, vector<256x1024xi32>
    %reduce_min3A_37 = arith.constant dense<2147483647> : vector<256xi32>
    %reduce_min3A_38 = vector.multi_reduction <minsi>, %select_n3A_36, %reduce_min3A_37 [1] : vector<256x1024xi32> to vector<256xi32>
    %and3A_39 = arith.constant 1023 : i32
    %and3A_40 = vector.broadcast %and3A_39 : i32 to vector<256xi32>
    %and3A_41 = arith.andi %reduce_min3A_38, %and3A_40 : vector<256xi32>
    %broadcast_in_dim3A_42 = vector.shape_cast %and3A_41 : vector<256xi32> to vector<256x1xi32>
    %broadcast_in_dim3A_43 = vector.shape_cast %reduce_min3A_38 : vector<256xi32> to vector<256x1xi32>
    %eq3A_44 = vector.broadcast %broadcast_in_dim3A_43 : vector<256x1xi32> to vector<256x1024xi32>
    %eq3A_45 = arith.cmpi eq, %select_n3A_36, %eq3A_44 : vector<256x1024xi32>
    %jit3A_46 = arith.constant 2147483647 : i32
    %broadcast_in_dim3A_47 = vector.broadcast %jit3A_46 : i32 to vector<256x1024xi32>
    %select_n3A_48 = arith.select %eq3A_45, %broadcast_in_dim3A_47, %select_n3A_36 : vector<256x1024xi1>, vector<256x1024xi32>
    %reduce_min3A_49 = arith.constant dense<2147483647> : vector<256xi32>
    %reduce_min3A_50 = vector.multi_reduction <minsi>, %select_n3A_48, %reduce_min3A_49 [1] : vector<256x1024xi32> to vector<256xi32>
    %and3A_51 = arith.constant 1023 : i32
    %and3A_52 = vector.broadcast %and3A_51 : i32 to vector<256xi32>
    %and3A_53 = arith.andi %reduce_min3A_50, %and3A_52 : vector<256xi32>
    %broadcast_in_dim3A_54 = vector.shape_cast %and3A_53 : vector<256xi32> to vector<256x1xi32>
    %broadcast_in_dim3A_55 = vector.shape_cast %reduce_min3A_50 : vector<256xi32> to vector<256x1xi32>
    %eq3A_56 = vector.broadcast %broadcast_in_dim3A_55 : vector<256x1xi32> to vector<256x1024xi32>
    %eq3A_57 = arith.cmpi eq, %select_n3A_48, %eq3A_56 : vector<256x1024xi32>
    %jit3A_58 = arith.constant 2147483647 : i32
    %broadcast_in_dim3A_59 = vector.broadcast %jit3A_58 : i32 to vector<256x1024xi32>
    %select_n3A_60 = arith.select %eq3A_57, %broadcast_in_dim3A_59, %select_n3A_48 : vector<256x1024xi1>, vector<256x1024xi32>
    %reduce_min3A_61 = arith.constant dense<2147483647> : vector<256xi32>
    %reduce_min3A_62 = vector.multi_reduction <minsi>, %select_n3A_60, %reduce_min3A_61 [1] : vector<256x1024xi32> to vector<256xi32>
    %and3A_63 = arith.constant 1023 : i32
    %and3A_64 = vector.broadcast %and3A_63 : i32 to vector<256xi32>
    %and3A_65 = arith.andi %reduce_min3A_62, %and3A_64 : vector<256xi32>
    %broadcast_in_dim3A_66 = vector.shape_cast %and3A_65 : vector<256xi32> to vector<256x1xi32>
    %broadcast_in_dim3A_67 = vector.shape_cast %reduce_min3A_62 : vector<256xi32> to vector<256x1xi32>
    %eq3A_68 = vector.broadcast %broadcast_in_dim3A_67 : vector<256x1xi32> to vector<256x1024xi32>
    %eq3A_69 = arith.cmpi eq, %select_n3A_60, %eq3A_68 : vector<256x1024xi32>
    %jit3A_70 = arith.constant 2147483647 : i32
    %broadcast_in_dim3A_71 = vector.broadcast %jit3A_70 : i32 to vector<256x1024xi32>
    %select_n3A_72 = arith.select %eq3A_69, %broadcast_in_dim3A_71, %select_n3A_60 : vector<256x1024xi1>, vector<256x1024xi32>
    %reduce_min3A_73 = arith.constant dense<2147483647> : vector<256xi32>
    %reduce_min3A_74 = vector.multi_reduction <minsi>, %select_n3A_72, %reduce_min3A_73 [1] : vector<256x1024xi32> to vector<256xi32>
    %and3A_75 = arith.constant 1023 : i32
    %and3A_76 = vector.broadcast %and3A_75 : i32 to vector<256xi32>
    %and3A_77 = arith.andi %reduce_min3A_74, %and3A_76 : vector<256xi32>
    %broadcast_in_dim3A_78 = vector.shape_cast %and3A_77 : vector<256xi32> to vector<256x1xi32>
    %broadcast_in_dim3A_79 = vector.shape_cast %reduce_min3A_74 : vector<256xi32> to vector<256x1xi32>
    %eq3A_80 = vector.broadcast %broadcast_in_dim3A_79 : vector<256x1xi32> to vector<256x1024xi32>
    %eq3A_81 = arith.cmpi eq, %select_n3A_72, %eq3A_80 : vector<256x1024xi32>
    %jit3A_82 = arith.constant 2147483647 : i32
    %broadcast_in_dim3A_83 = vector.broadcast %jit3A_82 : i32 to vector<256x1024xi32>
    %select_n3A_84 = arith.select %eq3A_81, %broadcast_in_dim3A_83, %select_n3A_72 : vector<256x1024xi1>, vector<256x1024xi32>
    %reduce_min3A_85 = arith.constant dense<2147483647> : vector<256xi32>
    %reduce_min3A_86 = vector.multi_reduction <minsi>, %select_n3A_84, %reduce_min3A_85 [1] : vector<256x1024xi32> to vector<256xi32>
    %and3A_87 = arith.constant 1023 : i32
    %and3A_88 = vector.broadcast %and3A_87 : i32 to vector<256xi32>
    %and3A_89 = arith.andi %reduce_min3A_86, %and3A_88 : vector<256xi32>
    %broadcast_in_dim3A_90 = vector.shape_cast %and3A_89 : vector<256xi32> to vector<256x1xi32>
    %broadcast_in_dim3A_91 = vector.shape_cast %reduce_min3A_86 : vector<256xi32> to vector<256x1xi32>
    %eq3A_92 = vector.broadcast %broadcast_in_dim3A_91 : vector<256x1xi32> to vector<256x1024xi32>
    %eq3A_93 = arith.cmpi eq, %select_n3A_84, %eq3A_92 : vector<256x1024xi32>
    %jit3A_94 = arith.constant 2147483647 : i32
    %broadcast_in_dim3A_95 = vector.broadcast %jit3A_94 : i32 to vector<256x1024xi32>
    %select_n3A_96 = arith.select %eq3A_93, %broadcast_in_dim3A_95, %select_n3A_84 : vector<256x1024xi1>, vector<256x1024xi32>
    %reduce_min3A_97 = arith.constant dense<2147483647> : vector<256xi32>
    %reduce_min3A_98 = vector.multi_reduction <minsi>, %select_n3A_96, %reduce_min3A_97 [1] : vector<256x1024xi32> to vector<256xi32>
    %and3A_99 = arith.constant 1023 : i32
    %and3A_100 = vector.broadcast %and3A_99 : i32 to vector<256xi32>
    %and3A_101 = arith.andi %reduce_min3A_98, %and3A_100 : vector<256xi32>
    %broadcast_in_dim3A_102 = vector.shape_cast %and3A_101 : vector<256xi32> to vector<256x1xi32>
    %concatenate3A = tpu.concatenate %broadcast_in_dim3A, %broadcast_in_dim3A_30, %broadcast_in_dim3A_42, %broadcast_in_dim3A_54, %broadcast_in_dim3A_66, %broadcast_in_dim3A_78, %broadcast_in_dim3A_90, %broadcast_in_dim3A_102 in 1 : vector<256x1xi32>, vector<256x1xi32>, vector<256x1xi32>, vector<256x1xi32>, vector<256x1xi32>, vector<256x1xi32>, vector<256x1xi32>, vector<256x1xi32> -> vector<256x8xi32>
    %swap3A = arith.constant 0 : index
    %swap3A_103 = arith.constant 0 : index
    %swap3A_104 = vector.load %arg3[%swap3A, %swap3A_103] : memref<256x8xi32, #tpu.memory_space<vmem>>, vector<256x8xi32>
    tpu.vector_store %arg3[%swap3A, %swap3A_103], %concatenate3A {strides = array<i32>} : memref<256x8xi32, #tpu.memory_space<vmem>>, vector<256x8xi32>,
    return
  }
  func.func @transform_0(%arg0: i32) -> (i32, i32) {
    %c0_i32 = arith.constant 0 : i32
    %c0_i32_0 = arith.constant 0 : i32
    return %arg0, %c0_i32 : i32, i32
  }
  func.func @transform_1(%arg0: i32) -> (i32, i32) {
    %c0_i32 = arith.constant 0 : i32
    %c0_i32_0 = arith.constant 0 : i32
    %c0_i32_1 = arith.constant 0 : i32
    return %c0_i32, %c0_i32_0 : i32, i32
  }
  func.func @transform_2(%arg0: i32) -> (i32, i32) {
    %c0_i32 = arith.constant 0 : i32
    %c0_i32_0 = arith.constant 0 : i32
    return %arg0, %c0_i32 : i32, i32
  }
}

module attributes {stable_mosaic.version = 14 : i64} {
  func.func @_tree_body(%arg0: i32, %arg1: memref<256x2048xf32, #tpu.memory_space<vmem>>, %arg2: memref<256x2048xf32, #tpu.memory_space<vmem>>, %arg3: memref<8x2048xi32, #tpu.memory_space<vmem>>, %arg4: memref<2048xi32, #tpu.memory_space<vmem>>, %arg5: memref<1x1xf32, #tpu.memory_space<smem>>, %arg6: memref<8x2048xf32, #tpu.memory_space<vmem>>) attributes {dimension_semantics = [#tpu.dimension_semantics<arbitrary>], iteration_bounds = array<i64: 8>, scalar_prefetch = 0 : i64, scratch_operands = 1 : i64, tpu.core_type = #tpu.core_type<tc>, window_params = [{pipeline_mode = #tpu.pipeline_mode<synchronous>, transform_indices = @transform_0, window_bounds = array<i64: 256, 2048>}, {transform_indices = @transform_1, window_bounds = array<i64: 256, 2048>}, {pipeline_mode = #tpu.pipeline_mode<synchronous>, transform_indices = @transform_2, window_bounds = array<i64: 8, 2048>}, {pipeline_mode = #tpu.pipeline_mode<synchronous>, transform_indices = @transform_3, window_bounds = array<i64: 2048>}, {transform_indices = @transform_4, window_bounds = array<i64: 1, 1>}]} {
    %get3A = arith.constant 0 : index
    %get3A_0 = arith.constant 0 : index
    %get3A_1 = vector.load %arg1[%get3A, %get3A_0] : memref<256x2048xf32, #tpu.memory_space<vmem>>, vector<256x2048xf32>
    %get3A_2 = arith.constant 0 : index
    %get3A_3 = arith.constant 0 : index
    %get3A_4 = vector.load %arg2[%get3A_2, %get3A_3] : memref<256x2048xf32, #tpu.memory_space<vmem>>, vector<256x2048xf32>
    %broadcast_in_dim3A = arith.constant 0.000000e+00 : f32
    %broadcast_in_dim3A_5 = vector.broadcast %broadcast_in_dim3A : f32 to vector<8x2048xf32>
    %slice3A = vector.extract_strided_slice %get3A_4 {offsets = [0, 0], sizes = [8, 2048], strides = [1, 1]} : vector<256x2048xf32> to vector<8x2048xf32>
    %slice3A_6 = vector.extract_strided_slice %get3A_1 {offsets = [0, 0], sizes = [8, 2048], strides = [1, 1]} : vector<256x2048xf32> to vector<8x2048xf32>
    %sub3A = arith.subf %slice3A, %slice3A_6 : vector<8x2048xf32>
    %mul3A = arith.mulf %sub3A, %sub3A : vector<8x2048xf32>
    %slice3A_7 = vector.extract_strided_slice %mul3A {offsets = [4, 0], sizes = [4, 2048], strides = [1, 1]} : vector<8x2048xf32> to vector<4x2048xf32>
    %slice3A_8 = vector.extract_strided_slice %mul3A {offsets = [0, 0], sizes = [4, 2048], strides = [1, 1]} : vector<8x2048xf32> to vector<4x2048xf32>
    %concatenate3A = tpu.concatenate %slice3A_7, %slice3A_8 in 0 : vector<4x2048xf32>, vector<4x2048xf32> -> vector<8x2048xf32>
    %add3A = arith.addf %mul3A, %concatenate3A : vector<8x2048xf32>
    %slice3A_9 = vector.extract_strided_slice %add3A {offsets = [6, 0], sizes = [2, 2048], strides = [1, 1]} : vector<8x2048xf32> to vector<2x2048xf32>
    %slice3A_10 = vector.extract_strided_slice %add3A {offsets = [0, 0], sizes = [6, 2048], strides = [1, 1]} : vector<8x2048xf32> to vector<6x2048xf32>
    %concatenate3A_11 = tpu.concatenate %slice3A_9, %slice3A_10 in 0 : vector<2x2048xf32>, vector<6x2048xf32> -> vector<8x2048xf32>
    %add3A_12 = arith.addf %add3A, %concatenate3A_11 : vector<8x2048xf32>
    %slice3A_13 = vector.extract_strided_slice %add3A_12 {offsets = [7, 0], sizes = [1, 2048], strides = [1, 1]} : vector<8x2048xf32> to vector<1x2048xf32>
    %slice3A_14 = vector.extract_strided_slice %add3A_12 {offsets = [0, 0], sizes = [7, 2048], strides = [1, 1]} : vector<8x2048xf32> to vector<7x2048xf32>
    %concatenate3A_15 = tpu.concatenate %slice3A_13, %slice3A_14 in 0 : vector<1x2048xf32>, vector<7x2048xf32> -> vector<8x2048xf32>
    %add3A_16 = arith.addf %add3A_12, %concatenate3A_15 : vector<8x2048xf32>
    %add3A_17 = arith.addf %broadcast_in_dim3A_5, %add3A_16 : vector<8x2048xf32>
    %slice3A_18 = vector.extract_strided_slice %get3A_4 {offsets = [8, 0], sizes = [8, 2048], strides = [1, 1]} : vector<256x2048xf32> to vector<8x2048xf32>
    %slice3A_19 = vector.extract_strided_slice %get3A_1 {offsets = [8, 0], sizes = [8, 2048], strides = [1, 1]} : vector<256x2048xf32> to vector<8x2048xf32>
    %sub3A_20 = arith.subf %slice3A_18, %slice3A_19 : vector<8x2048xf32>
    %mul3A_21 = arith.mulf %sub3A_20, %sub3A_20 : vector<8x2048xf32>
    %slice3A_22 = vector.extract_strided_slice %mul3A_21 {offsets = [4, 0], sizes = [4, 2048], strides = [1, 1]} : vector<8x2048xf32> to vector<4x2048xf32>
    %slice3A_23 = vector.extract_strided_slice %mul3A_21 {offsets = [0, 0], sizes = [4, 2048], strides = [1, 1]} : vector<8x2048xf32> to vector<4x2048xf32>
    %concatenate3A_24 = tpu.concatenate %slice3A_22, %slice3A_23 in 0 : vector<4x2048xf32>, vector<4x2048xf32> -> vector<8x2048xf32>
    %add3A_25 = arith.addf %mul3A_21, %concatenate3A_24 : vector<8x2048xf32>
    %slice3A_26 = vector.extract_strided_slice %add3A_25 {offsets = [6, 0], sizes = [2, 2048], strides = [1, 1]} : vector<8x2048xf32> to vector<2x2048xf32>
    %slice3A_27 = vector.extract_strided_slice %add3A_25 {offsets = [0, 0], sizes = [6, 2048], strides = [1, 1]} : vector<8x2048xf32> to vector<6x2048xf32>
    %concatenate3A_28 = tpu.concatenate %slice3A_26, %slice3A_27 in 0 : vector<2x2048xf32>, vector<6x2048xf32> -> vector<8x2048xf32>
    %add3A_29 = arith.addf %add3A_25, %concatenate3A_28 : vector<8x2048xf32>
    %slice3A_30 = vector.extract_strided_slice %add3A_29 {offsets = [7, 0], sizes = [1, 2048], strides = [1, 1]} : vector<8x2048xf32> to vector<1x2048xf32>
    %slice3A_31 = vector.extract_strided_slice %add3A_29 {offsets = [0, 0], sizes = [7, 2048], strides = [1, 1]} : vector<8x2048xf32> to vector<7x2048xf32>
    %concatenate3A_32 = tpu.concatenate %slice3A_30, %slice3A_31 in 0 : vector<1x2048xf32>, vector<7x2048xf32> -> vector<8x2048xf32>
    %add3A_33 = arith.addf %add3A_29, %concatenate3A_32 : vector<8x2048xf32>
    %add3A_34 = arith.addf %add3A_17, %add3A_33 : vector<8x2048xf32>
    %slice3A_35 = vector.extract_strided_slice %get3A_4 {offsets = [16, 0], sizes = [8, 2048], strides = [1, 1]} : vector<256x2048xf32> to vector<8x2048xf32>
    %slice3A_36 = vector.extract_strided_slice %get3A_1 {offsets = [16, 0], sizes = [8, 2048], strides = [1, 1]} : vector<256x2048xf32> to vector<8x2048xf32>
    %sub3A_37 = arith.subf %slice3A_35, %slice3A_36 : vector<8x2048xf32>
    %mul3A_38 = arith.mulf %sub3A_37, %sub3A_37 : vector<8x2048xf32>
    %slice3A_39 = vector.extract_strided_slice %mul3A_38 {offsets = [4, 0], sizes = [4, 2048], strides = [1, 1]} : vector<8x2048xf32> to vector<4x2048xf32>
    %slice3A_40 = vector.extract_strided_slice %mul3A_38 {offsets = [0, 0], sizes = [4, 2048], strides = [1, 1]} : vector<8x2048xf32> to vector<4x2048xf32>
    %concatenate3A_41 = tpu.concatenate %slice3A_39, %slice3A_40 in 0 : vector<4x2048xf32>, vector<4x2048xf32> -> vector<8x2048xf32>
    %add3A_42 = arith.addf %mul3A_38, %concatenate3A_41 : vector<8x2048xf32>
    %slice3A_43 = vector.extract_strided_slice %add3A_42 {offsets = [6, 0], sizes = [2, 2048], strides = [1, 1]} : vector<8x2048xf32> to vector<2x2048xf32>
    %slice3A_44 = vector.extract_strided_slice %add3A_42 {offsets = [0, 0], sizes = [6, 2048], strides = [1, 1]} : vector<8x2048xf32> to vector<6x2048xf32>
    %concatenate3A_45 = tpu.concatenate %slice3A_43, %slice3A_44 in 0 : vector<2x2048xf32>, vector<6x2048xf32> -> vector<8x2048xf32>
    %add3A_46 = arith.addf %add3A_42, %concatenate3A_45 : vector<8x2048xf32>
    %slice3A_47 = vector.extract_strided_slice %add3A_46 {offsets = [7, 0], sizes = [1, 2048], strides = [1, 1]} : vector<8x2048xf32> to vector<1x2048xf32>
    %slice3A_48 = vector.extract_strided_slice %add3A_46 {offsets = [0, 0], sizes = [7, 2048], strides = [1, 1]} : vector<8x2048xf32> to vector<7x2048xf32>
    %concatenate3A_49 = tpu.concatenate %slice3A_47, %slice3A_48 in 0 : vector<1x2048xf32>, vector<7x2048xf32> -> vector<8x2048xf32>
    %add3A_50 = arith.addf %add3A_46, %concatenate3A_49 : vector<8x2048xf32>
    %add3A_51 = arith.addf %add3A_34, %add3A_50 : vector<8x2048xf32>
    %slice3A_52 = vector.extract_strided_slice %get3A_4 {offsets = [24, 0], sizes = [8, 2048], strides = [1, 1]} : vector<256x2048xf32> to vector<8x2048xf32>
    %slice3A_53 = vector.extract_strided_slice %get3A_1 {offsets = [24, 0], sizes = [8, 2048], strides = [1, 1]} : vector<256x2048xf32> to vector<8x2048xf32>
    %sub3A_54 = arith.subf %slice3A_52, %slice3A_53 : vector<8x2048xf32>
    %mul3A_55 = arith.mulf %sub3A_54, %sub3A_54 : vector<8x2048xf32>
    %slice3A_56 = vector.extract_strided_slice %mul3A_55 {offsets = [4, 0], sizes = [4, 2048], strides = [1, 1]} : vector<8x2048xf32> to vector<4x2048xf32>
    %slice3A_57 = vector.extract_strided_slice %mul3A_55 {offsets = [0, 0], sizes = [4, 2048], strides = [1, 1]} : vector<8x2048xf32> to vector<4x2048xf32>
    %concatenate3A_58 = tpu.concatenate %slice3A_56, %slice3A_57 in 0 : vector<4x2048xf32>, vector<4x2048xf32> -> vector<8x2048xf32>
    %add3A_59 = arith.addf %mul3A_55, %concatenate3A_58 : vector<8x2048xf32>
    %slice3A_60 = vector.extract_strided_slice %add3A_59 {offsets = [6, 0], sizes = [2, 2048], strides = [1, 1]} : vector<8x2048xf32> to vector<2x2048xf32>
    %slice3A_61 = vector.extract_strided_slice %add3A_59 {offsets = [0, 0], sizes = [6, 2048], strides = [1, 1]} : vector<8x2048xf32> to vector<6x2048xf32>
    %concatenate3A_62 = tpu.concatenate %slice3A_60, %slice3A_61 in 0 : vector<2x2048xf32>, vector<6x2048xf32> -> vector<8x2048xf32>
    %add3A_63 = arith.addf %add3A_59, %concatenate3A_62 : vector<8x2048xf32>
    %slice3A_64 = vector.extract_strided_slice %add3A_63 {offsets = [7, 0], sizes = [1, 2048], strides = [1, 1]} : vector<8x2048xf32> to vector<1x2048xf32>
    %slice3A_65 = vector.extract_strided_slice %add3A_63 {offsets = [0, 0], sizes = [7, 2048], strides = [1, 1]} : vector<8x2048xf32> to vector<7x2048xf32>
    %concatenate3A_66 = tpu.concatenate %slice3A_64, %slice3A_65 in 0 : vector<1x2048xf32>, vector<7x2048xf32> -> vector<8x2048xf32>
    %add3A_67 = arith.addf %add3A_63, %concatenate3A_66 : vector<8x2048xf32>
    %add3A_68 = arith.addf %add3A_51, %add3A_67 : vector<8x2048xf32>
    %slice3A_69 = vector.extract_strided_slice %get3A_4 {offsets = [32, 0], sizes = [8, 2048], strides = [1, 1]} : vector<256x2048xf32> to vector<8x2048xf32>
    %slice3A_70 = vector.extract_strided_slice %get3A_1 {offsets = [32, 0], sizes = [8, 2048], strides = [1, 1]} : vector<256x2048xf32> to vector<8x2048xf32>
    %sub3A_71 = arith.subf %slice3A_69, %slice3A_70 : vector<8x2048xf32>
    %mul3A_72 = arith.mulf %sub3A_71, %sub3A_71 : vector<8x2048xf32>
    %slice3A_73 = vector.extract_strided_slice %mul3A_72 {offsets = [4, 0], sizes = [4, 2048], strides = [1, 1]} : vector<8x2048xf32> to vector<4x2048xf32>
    %slice3A_74 = vector.extract_strided_slice %mul3A_72 {offsets = [0, 0], sizes = [4, 2048], strides = [1, 1]} : vector<8x2048xf32> to vector<4x2048xf32>
    %concatenate3A_75 = tpu.concatenate %slice3A_73, %slice3A_74 in 0 : vector<4x2048xf32>, vector<4x2048xf32> -> vector<8x2048xf32>
    %add3A_76 = arith.addf %mul3A_72, %concatenate3A_75 : vector<8x2048xf32>
    %slice3A_77 = vector.extract_strided_slice %add3A_76 {offsets = [6, 0], sizes = [2, 2048], strides = [1, 1]} : vector<8x2048xf32> to vector<2x2048xf32>
    %slice3A_78 = vector.extract_strided_slice %add3A_76 {offsets = [0, 0], sizes = [6, 2048], strides = [1, 1]} : vector<8x2048xf32> to vector<6x2048xf32>
    %concatenate3A_79 = tpu.concatenate %slice3A_77, %slice3A_78 in 0 : vector<2x2048xf32>, vector<6x2048xf32> -> vector<8x2048xf32>
    %add3A_80 = arith.addf %add3A_76, %concatenate3A_79 : vector<8x2048xf32>
    %slice3A_81 = vector.extract_strided_slice %add3A_80 {offsets = [7, 0], sizes = [1, 2048], strides = [1, 1]} : vector<8x2048xf32> to vector<1x2048xf32>
    %slice3A_82 = vector.extract_strided_slice %add3A_80 {offsets = [0, 0], sizes = [7, 2048], strides = [1, 1]} : vector<8x2048xf32> to vector<7x2048xf32>
    %concatenate3A_83 = tpu.concatenate %slice3A_81, %slice3A_82 in 0 : vector<1x2048xf32>, vector<7x2048xf32> -> vector<8x2048xf32>
    %add3A_84 = arith.addf %add3A_80, %concatenate3A_83 : vector<8x2048xf32>
    %add3A_85 = arith.addf %add3A_68, %add3A_84 : vector<8x2048xf32>
    %slice3A_86 = vector.extract_strided_slice %get3A_4 {offsets = [40, 0], sizes = [8, 2048], strides = [1, 1]} : vector<256x2048xf32> to vector<8x2048xf32>
    %slice3A_87 = vector.extract_strided_slice %get3A_1 {offsets = [40, 0], sizes = [8, 2048], strides = [1, 1]} : vector<256x2048xf32> to vector<8x2048xf32>
    %sub3A_88 = arith.subf %slice3A_86, %slice3A_87 : vector<8x2048xf32>
    %mul3A_89 = arith.mulf %sub3A_88, %sub3A_88 : vector<8x2048xf32>
    %slice3A_90 = vector.extract_strided_slice %mul3A_89 {offsets = [4, 0], sizes = [4, 2048], strides = [1, 1]} : vector<8x2048xf32> to vector<4x2048xf32>
    %slice3A_91 = vector.extract_strided_slice %mul3A_89 {offsets = [0, 0], sizes = [4, 2048], strides = [1, 1]} : vector<8x2048xf32> to vector<4x2048xf32>
    %concatenate3A_92 = tpu.concatenate %slice3A_90, %slice3A_91 in 0 : vector<4x2048xf32>, vector<4x2048xf32> -> vector<8x2048xf32>
    %add3A_93 = arith.addf %mul3A_89, %concatenate3A_92 : vector<8x2048xf32>
    %slice3A_94 = vector.extract_strided_slice %add3A_93 {offsets = [6, 0], sizes = [2, 2048], strides = [1, 1]} : vector<8x2048xf32> to vector<2x2048xf32>
    %slice3A_95 = vector.extract_strided_slice %add3A_93 {offsets = [0, 0], sizes = [6, 2048], strides = [1, 1]} : vector<8x2048xf32> to vector<6x2048xf32>
    %concatenate3A_96 = tpu.concatenate %slice3A_94, %slice3A_95 in 0 : vector<2x2048xf32>, vector<6x2048xf32> -> vector<8x2048xf32>
    %add3A_97 = arith.addf %add3A_93, %concatenate3A_96 : vector<8x2048xf32>
    %slice3A_98 = vector.extract_strided_slice %add3A_97 {offsets = [7, 0], sizes = [1, 2048], strides = [1, 1]} : vector<8x2048xf32> to vector<1x2048xf32>
    %slice3A_99 = vector.extract_strided_slice %add3A_97 {offsets = [0, 0], sizes = [7, 2048], strides = [1, 1]} : vector<8x2048xf32> to vector<7x2048xf32>
    %concatenate3A_100 = tpu.concatenate %slice3A_98, %slice3A_99 in 0 : vector<1x2048xf32>, vector<7x2048xf32> -> vector<8x2048xf32>
    %add3A_101 = arith.addf %add3A_97, %concatenate3A_100 : vector<8x2048xf32>
    %add3A_102 = arith.addf %add3A_85, %add3A_101 : vector<8x2048xf32>
    %slice3A_103 = vector.extract_strided_slice %get3A_4 {offsets = [48, 0], sizes = [8, 2048], strides = [1, 1]} : vector<256x2048xf32> to vector<8x2048xf32>
    %slice3A_104 = vector.extract_strided_slice %get3A_1 {offsets = [48, 0], sizes = [8, 2048], strides = [1, 1]} : vector<256x2048xf32> to vector<8x2048xf32>
    %sub3A_105 = arith.subf %slice3A_103, %slice3A_104 : vector<8x2048xf32>
    %mul3A_106 = arith.mulf %sub3A_105, %sub3A_105 : vector<8x2048xf32>
    %slice3A_107 = vector.extract_strided_slice %mul3A_106 {offsets = [4, 0], sizes = [4, 2048], strides = [1, 1]} : vector<8x2048xf32> to vector<4x2048xf32>
    %slice3A_108 = vector.extract_strided_slice %mul3A_106 {offsets = [0, 0], sizes = [4, 2048], strides = [1, 1]} : vector<8x2048xf32> to vector<4x2048xf32>
    %concatenate3A_109 = tpu.concatenate %slice3A_107, %slice3A_108 in 0 : vector<4x2048xf32>, vector<4x2048xf32> -> vector<8x2048xf32>
    %add3A_110 = arith.addf %mul3A_106, %concatenate3A_109 : vector<8x2048xf32>
    %slice3A_111 = vector.extract_strided_slice %add3A_110 {offsets = [6, 0], sizes = [2, 2048], strides = [1, 1]} : vector<8x2048xf32> to vector<2x2048xf32>
    %slice3A_112 = vector.extract_strided_slice %add3A_110 {offsets = [0, 0], sizes = [6, 2048], strides = [1, 1]} : vector<8x2048xf32> to vector<6x2048xf32>
    %concatenate3A_113 = tpu.concatenate %slice3A_111, %slice3A_112 in 0 : vector<2x2048xf32>, vector<6x2048xf32> -> vector<8x2048xf32>
    %add3A_114 = arith.addf %add3A_110, %concatenate3A_113 : vector<8x2048xf32>
    %slice3A_115 = vector.extract_strided_slice %add3A_114 {offsets = [7, 0], sizes = [1, 2048], strides = [1, 1]} : vector<8x2048xf32> to vector<1x2048xf32>
    %slice3A_116 = vector.extract_strided_slice %add3A_114 {offsets = [0, 0], sizes = [7, 2048], strides = [1, 1]} : vector<8x2048xf32> to vector<7x2048xf32>
    %concatenate3A_117 = tpu.concatenate %slice3A_115, %slice3A_116 in 0 : vector<1x2048xf32>, vector<7x2048xf32> -> vector<8x2048xf32>
    %add3A_118 = arith.addf %add3A_114, %concatenate3A_117 : vector<8x2048xf32>
    %add3A_119 = arith.addf %add3A_102, %add3A_118 : vector<8x2048xf32>
    %slice3A_120 = vector.extract_strided_slice %get3A_4 {offsets = [56, 0], sizes = [8, 2048], strides = [1, 1]} : vector<256x2048xf32> to vector<8x2048xf32>
    %slice3A_121 = vector.extract_strided_slice %get3A_1 {offsets = [56, 0], sizes = [8, 2048], strides = [1, 1]} : vector<256x2048xf32> to vector<8x2048xf32>
    %sub3A_122 = arith.subf %slice3A_120, %slice3A_121 : vector<8x2048xf32>
    %mul3A_123 = arith.mulf %sub3A_122, %sub3A_122 : vector<8x2048xf32>
    %slice3A_124 = vector.extract_strided_slice %mul3A_123 {offsets = [4, 0], sizes = [4, 2048], strides = [1, 1]} : vector<8x2048xf32> to vector<4x2048xf32>
    %slice3A_125 = vector.extract_strided_slice %mul3A_123 {offsets = [0, 0], sizes = [4, 2048], strides = [1, 1]} : vector<8x2048xf32> to vector<4x2048xf32>
    %concatenate3A_126 = tpu.concatenate %slice3A_124, %slice3A_125 in 0 : vector<4x2048xf32>, vector<4x2048xf32> -> vector<8x2048xf32>
    %add3A_127 = arith.addf %mul3A_123, %concatenate3A_126 : vector<8x2048xf32>
    %slice3A_128 = vector.extract_strided_slice %add3A_127 {offsets = [6, 0], sizes = [2, 2048], strides = [1, 1]} : vector<8x2048xf32> to vector<2x2048xf32>
    %slice3A_129 = vector.extract_strided_slice %add3A_127 {offsets = [0, 0], sizes = [6, 2048], strides = [1, 1]} : vector<8x2048xf32> to vector<6x2048xf32>
    %concatenate3A_130 = tpu.concatenate %slice3A_128, %slice3A_129 in 0 : vector<2x2048xf32>, vector<6x2048xf32> -> vector<8x2048xf32>
    %add3A_131 = arith.addf %add3A_127, %concatenate3A_130 : vector<8x2048xf32>
    %slice3A_132 = vector.extract_strided_slice %add3A_131 {offsets = [7, 0], sizes = [1, 2048], strides = [1, 1]} : vector<8x2048xf32> to vector<1x2048xf32>
    %slice3A_133 = vector.extract_strided_slice %add3A_131 {offsets = [0, 0], sizes = [7, 2048], strides = [1, 1]} : vector<8x2048xf32> to vector<7x2048xf32>
    %concatenate3A_134 = tpu.concatenate %slice3A_132, %slice3A_133 in 0 : vector<1x2048xf32>, vector<7x2048xf32> -> vector<8x2048xf32>
    %add3A_135 = arith.addf %add3A_131, %concatenate3A_134 : vector<8x2048xf32>
    %add3A_136 = arith.addf %add3A_119, %add3A_135 : vector<8x2048xf32>
    %slice3A_137 = vector.extract_strided_slice %get3A_4 {offsets = [64, 0], sizes = [8, 2048], strides = [1, 1]} : vector<256x2048xf32> to vector<8x2048xf32>
    %slice3A_138 = vector.extract_strided_slice %get3A_1 {offsets = [64, 0], sizes = [8, 2048], strides = [1, 1]} : vector<256x2048xf32> to vector<8x2048xf32>
    %sub3A_139 = arith.subf %slice3A_137, %slice3A_138 : vector<8x2048xf32>
    %mul3A_140 = arith.mulf %sub3A_139, %sub3A_139 : vector<8x2048xf32>
    %slice3A_141 = vector.extract_strided_slice %mul3A_140 {offsets = [4, 0], sizes = [4, 2048], strides = [1, 1]} : vector<8x2048xf32> to vector<4x2048xf32>
    %slice3A_142 = vector.extract_strided_slice %mul3A_140 {offsets = [0, 0], sizes = [4, 2048], strides = [1, 1]} : vector<8x2048xf32> to vector<4x2048xf32>
    %concatenate3A_143 = tpu.concatenate %slice3A_141, %slice3A_142 in 0 : vector<4x2048xf32>, vector<4x2048xf32> -> vector<8x2048xf32>
    %add3A_144 = arith.addf %mul3A_140, %concatenate3A_143 : vector<8x2048xf32>
    %slice3A_145 = vector.extract_strided_slice %add3A_144 {offsets = [6, 0], sizes = [2, 2048], strides = [1, 1]} : vector<8x2048xf32> to vector<2x2048xf32>
    %slice3A_146 = vector.extract_strided_slice %add3A_144 {offsets = [0, 0], sizes = [6, 2048], strides = [1, 1]} : vector<8x2048xf32> to vector<6x2048xf32>
    %concatenate3A_147 = tpu.concatenate %slice3A_145, %slice3A_146 in 0 : vector<2x2048xf32>, vector<6x2048xf32> -> vector<8x2048xf32>
    %add3A_148 = arith.addf %add3A_144, %concatenate3A_147 : vector<8x2048xf32>
    %slice3A_149 = vector.extract_strided_slice %add3A_148 {offsets = [7, 0], sizes = [1, 2048], strides = [1, 1]} : vector<8x2048xf32> to vector<1x2048xf32>
    %slice3A_150 = vector.extract_strided_slice %add3A_148 {offsets = [0, 0], sizes = [7, 2048], strides = [1, 1]} : vector<8x2048xf32> to vector<7x2048xf32>
    %concatenate3A_151 = tpu.concatenate %slice3A_149, %slice3A_150 in 0 : vector<1x2048xf32>, vector<7x2048xf32> -> vector<8x2048xf32>
    %add3A_152 = arith.addf %add3A_148, %concatenate3A_151 : vector<8x2048xf32>
    %add3A_153 = arith.addf %add3A_136, %add3A_152 : vector<8x2048xf32>
    %slice3A_154 = vector.extract_strided_slice %get3A_4 {offsets = [72, 0], sizes = [8, 2048], strides = [1, 1]} : vector<256x2048xf32> to vector<8x2048xf32>
    %slice3A_155 = vector.extract_strided_slice %get3A_1 {offsets = [72, 0], sizes = [8, 2048], strides = [1, 1]} : vector<256x2048xf32> to vector<8x2048xf32>
    %sub3A_156 = arith.subf %slice3A_154, %slice3A_155 : vector<8x2048xf32>
    %mul3A_157 = arith.mulf %sub3A_156, %sub3A_156 : vector<8x2048xf32>
    %slice3A_158 = vector.extract_strided_slice %mul3A_157 {offsets = [4, 0], sizes = [4, 2048], strides = [1, 1]} : vector<8x2048xf32> to vector<4x2048xf32>
    %slice3A_159 = vector.extract_strided_slice %mul3A_157 {offsets = [0, 0], sizes = [4, 2048], strides = [1, 1]} : vector<8x2048xf32> to vector<4x2048xf32>
    %concatenate3A_160 = tpu.concatenate %slice3A_158, %slice3A_159 in 0 : vector<4x2048xf32>, vector<4x2048xf32> -> vector<8x2048xf32>
    %add3A_161 = arith.addf %mul3A_157, %concatenate3A_160 : vector<8x2048xf32>
    %slice3A_162 = vector.extract_strided_slice %add3A_161 {offsets = [6, 0], sizes = [2, 2048], strides = [1, 1]} : vector<8x2048xf32> to vector<2x2048xf32>
    %slice3A_163 = vector.extract_strided_slice %add3A_161 {offsets = [0, 0], sizes = [6, 2048], strides = [1, 1]} : vector<8x2048xf32> to vector<6x2048xf32>
    %concatenate3A_164 = tpu.concatenate %slice3A_162, %slice3A_163 in 0 : vector<2x2048xf32>, vector<6x2048xf32> -> vector<8x2048xf32>
    %add3A_165 = arith.addf %add3A_161, %concatenate3A_164 : vector<8x2048xf32>
    %slice3A_166 = vector.extract_strided_slice %add3A_165 {offsets = [7, 0], sizes = [1, 2048], strides = [1, 1]} : vector<8x2048xf32> to vector<1x2048xf32>
    %slice3A_167 = vector.extract_strided_slice %add3A_165 {offsets = [0, 0], sizes = [7, 2048], strides = [1, 1]} : vector<8x2048xf32> to vector<7x2048xf32>
    %concatenate3A_168 = tpu.concatenate %slice3A_166, %slice3A_167 in 0 : vector<1x2048xf32>, vector<7x2048xf32> -> vector<8x2048xf32>
    %add3A_169 = arith.addf %add3A_165, %concatenate3A_168 : vector<8x2048xf32>
    %add3A_170 = arith.addf %add3A_153, %add3A_169 : vector<8x2048xf32>
    %slice3A_171 = vector.extract_strided_slice %get3A_4 {offsets = [80, 0], sizes = [8, 2048], strides = [1, 1]} : vector<256x2048xf32> to vector<8x2048xf32>
    %slice3A_172 = vector.extract_strided_slice %get3A_1 {offsets = [80, 0], sizes = [8, 2048], strides = [1, 1]} : vector<256x2048xf32> to vector<8x2048xf32>
    %sub3A_173 = arith.subf %slice3A_171, %slice3A_172 : vector<8x2048xf32>
    %mul3A_174 = arith.mulf %sub3A_173, %sub3A_173 : vector<8x2048xf32>
    %slice3A_175 = vector.extract_strided_slice %mul3A_174 {offsets = [4, 0], sizes = [4, 2048], strides = [1, 1]} : vector<8x2048xf32> to vector<4x2048xf32>
    %slice3A_176 = vector.extract_strided_slice %mul3A_174 {offsets = [0, 0], sizes = [4, 2048], strides = [1, 1]} : vector<8x2048xf32> to vector<4x2048xf32>
    %concatenate3A_177 = tpu.concatenate %slice3A_175, %slice3A_176 in 0 : vector<4x2048xf32>, vector<4x2048xf32> -> vector<8x2048xf32>
    %add3A_178 = arith.addf %mul3A_174, %concatenate3A_177 : vector<8x2048xf32>
    %slice3A_179 = vector.extract_strided_slice %add3A_178 {offsets = [6, 0], sizes = [2, 2048], strides = [1, 1]} : vector<8x2048xf32> to vector<2x2048xf32>
    %slice3A_180 = vector.extract_strided_slice %add3A_178 {offsets = [0, 0], sizes = [6, 2048], strides = [1, 1]} : vector<8x2048xf32> to vector<6x2048xf32>
    %concatenate3A_181 = tpu.concatenate %slice3A_179, %slice3A_180 in 0 : vector<2x2048xf32>, vector<6x2048xf32> -> vector<8x2048xf32>
    %add3A_182 = arith.addf %add3A_178, %concatenate3A_181 : vector<8x2048xf32>
    %slice3A_183 = vector.extract_strided_slice %add3A_182 {offsets = [7, 0], sizes = [1, 2048], strides = [1, 1]} : vector<8x2048xf32> to vector<1x2048xf32>
    %slice3A_184 = vector.extract_strided_slice %add3A_182 {offsets = [0, 0], sizes = [7, 2048], strides = [1, 1]} : vector<8x2048xf32> to vector<7x2048xf32>
    %concatenate3A_185 = tpu.concatenate %slice3A_183, %slice3A_184 in 0 : vector<1x2048xf32>, vector<7x2048xf32> -> vector<8x2048xf32>
    %add3A_186 = arith.addf %add3A_182, %concatenate3A_185 : vector<8x2048xf32>
    %add3A_187 = arith.addf %add3A_170, %add3A_186 : vector<8x2048xf32>
    %slice3A_188 = vector.extract_strided_slice %get3A_4 {offsets = [88, 0], sizes = [8, 2048], strides = [1, 1]} : vector<256x2048xf32> to vector<8x2048xf32>
    %slice3A_189 = vector.extract_strided_slice %get3A_1 {offsets = [88, 0], sizes = [8, 2048], strides = [1, 1]} : vector<256x2048xf32> to vector<8x2048xf32>
    %sub3A_190 = arith.subf %slice3A_188, %slice3A_189 : vector<8x2048xf32>
    %mul3A_191 = arith.mulf %sub3A_190, %sub3A_190 : vector<8x2048xf32>
    %slice3A_192 = vector.extract_strided_slice %mul3A_191 {offsets = [4, 0], sizes = [4, 2048], strides = [1, 1]} : vector<8x2048xf32> to vector<4x2048xf32>
    %slice3A_193 = vector.extract_strided_slice %mul3A_191 {offsets = [0, 0], sizes = [4, 2048], strides = [1, 1]} : vector<8x2048xf32> to vector<4x2048xf32>
    %concatenate3A_194 = tpu.concatenate %slice3A_192, %slice3A_193 in 0 : vector<4x2048xf32>, vector<4x2048xf32> -> vector<8x2048xf32>
    %add3A_195 = arith.addf %mul3A_191, %concatenate3A_194 : vector<8x2048xf32>
    %slice3A_196 = vector.extract_strided_slice %add3A_195 {offsets = [6, 0], sizes = [2, 2048], strides = [1, 1]} : vector<8x2048xf32> to vector<2x2048xf32>
    %slice3A_197 = vector.extract_strided_slice %add3A_195 {offsets = [0, 0], sizes = [6, 2048], strides = [1, 1]} : vector<8x2048xf32> to vector<6x2048xf32>
    %concatenate3A_198 = tpu.concatenate %slice3A_196, %slice3A_197 in 0 : vector<2x2048xf32>, vector<6x2048xf32> -> vector<8x2048xf32>
    %add3A_199 = arith.addf %add3A_195, %concatenate3A_198 : vector<8x2048xf32>
    %slice3A_200 = vector.extract_strided_slice %add3A_199 {offsets = [7, 0], sizes = [1, 2048], strides = [1, 1]} : vector<8x2048xf32> to vector<1x2048xf32>
    %slice3A_201 = vector.extract_strided_slice %add3A_199 {offsets = [0, 0], sizes = [7, 2048], strides = [1, 1]} : vector<8x2048xf32> to vector<7x2048xf32>
    %concatenate3A_202 = tpu.concatenate %slice3A_200, %slice3A_201 in 0 : vector<1x2048xf32>, vector<7x2048xf32> -> vector<8x2048xf32>
    %add3A_203 = arith.addf %add3A_199, %concatenate3A_202 : vector<8x2048xf32>
    %add3A_204 = arith.addf %add3A_187, %add3A_203 : vector<8x2048xf32>
    %slice3A_205 = vector.extract_strided_slice %get3A_4 {offsets = [96, 0], sizes = [8, 2048], strides = [1, 1]} : vector<256x2048xf32> to vector<8x2048xf32>
    %slice3A_206 = vector.extract_strided_slice %get3A_1 {offsets = [96, 0], sizes = [8, 2048], strides = [1, 1]} : vector<256x2048xf32> to vector<8x2048xf32>
    %sub3A_207 = arith.subf %slice3A_205, %slice3A_206 : vector<8x2048xf32>
    %mul3A_208 = arith.mulf %sub3A_207, %sub3A_207 : vector<8x2048xf32>
    %slice3A_209 = vector.extract_strided_slice %mul3A_208 {offsets = [4, 0], sizes = [4, 2048], strides = [1, 1]} : vector<8x2048xf32> to vector<4x2048xf32>
    %slice3A_210 = vector.extract_strided_slice %mul3A_208 {offsets = [0, 0], sizes = [4, 2048], strides = [1, 1]} : vector<8x2048xf32> to vector<4x2048xf32>
    %concatenate3A_211 = tpu.concatenate %slice3A_209, %slice3A_210 in 0 : vector<4x2048xf32>, vector<4x2048xf32> -> vector<8x2048xf32>
    %add3A_212 = arith.addf %mul3A_208, %concatenate3A_211 : vector<8x2048xf32>
    %slice3A_213 = vector.extract_strided_slice %add3A_212 {offsets = [6, 0], sizes = [2, 2048], strides = [1, 1]} : vector<8x2048xf32> to vector<2x2048xf32>
    %slice3A_214 = vector.extract_strided_slice %add3A_212 {offsets = [0, 0], sizes = [6, 2048], strides = [1, 1]} : vector<8x2048xf32> to vector<6x2048xf32>
    %concatenate3A_215 = tpu.concatenate %slice3A_213, %slice3A_214 in 0 : vector<2x2048xf32>, vector<6x2048xf32> -> vector<8x2048xf32>
    %add3A_216 = arith.addf %add3A_212, %concatenate3A_215 : vector<8x2048xf32>
    %slice3A_217 = vector.extract_strided_slice %add3A_216 {offsets = [7, 0], sizes = [1, 2048], strides = [1, 1]} : vector<8x2048xf32> to vector<1x2048xf32>
    %slice3A_218 = vector.extract_strided_slice %add3A_216 {offsets = [0, 0], sizes = [7, 2048], strides = [1, 1]} : vector<8x2048xf32> to vector<7x2048xf32>
    %concatenate3A_219 = tpu.concatenate %slice3A_217, %slice3A_218 in 0 : vector<1x2048xf32>, vector<7x2048xf32> -> vector<8x2048xf32>
    %add3A_220 = arith.addf %add3A_216, %concatenate3A_219 : vector<8x2048xf32>
    %add3A_221 = arith.addf %add3A_204, %add3A_220 : vector<8x2048xf32>
    %slice3A_222 = vector.extract_strided_slice %get3A_4 {offsets = [104, 0], sizes = [8, 2048], strides = [1, 1]} : vector<256x2048xf32> to vector<8x2048xf32>
    %slice3A_223 = vector.extract_strided_slice %get3A_1 {offsets = [104, 0], sizes = [8, 2048], strides = [1, 1]} : vector<256x2048xf32> to vector<8x2048xf32>
    %sub3A_224 = arith.subf %slice3A_222, %slice3A_223 : vector<8x2048xf32>
    %mul3A_225 = arith.mulf %sub3A_224, %sub3A_224 : vector<8x2048xf32>
    %slice3A_226 = vector.extract_strided_slice %mul3A_225 {offsets = [4, 0], sizes = [4, 2048], strides = [1, 1]} : vector<8x2048xf32> to vector<4x2048xf32>
    %slice3A_227 = vector.extract_strided_slice %mul3A_225 {offsets = [0, 0], sizes = [4, 2048], strides = [1, 1]} : vector<8x2048xf32> to vector<4x2048xf32>
    %concatenate3A_228 = tpu.concatenate %slice3A_226, %slice3A_227 in 0 : vector<4x2048xf32>, vector<4x2048xf32> -> vector<8x2048xf32>
    %add3A_229 = arith.addf %mul3A_225, %concatenate3A_228 : vector<8x2048xf32>
    %slice3A_230 = vector.extract_strided_slice %add3A_229 {offsets = [6, 0], sizes = [2, 2048], strides = [1, 1]} : vector<8x2048xf32> to vector<2x2048xf32>
    %slice3A_231 = vector.extract_strided_slice %add3A_229 {offsets = [0, 0], sizes = [6, 2048], strides = [1, 1]} : vector<8x2048xf32> to vector<6x2048xf32>
    %concatenate3A_232 = tpu.concatenate %slice3A_230, %slice3A_231 in 0 : vector<2x2048xf32>, vector<6x2048xf32> -> vector<8x2048xf32>
    %add3A_233 = arith.addf %add3A_229, %concatenate3A_232 : vector<8x2048xf32>
    %slice3A_234 = vector.extract_strided_slice %add3A_233 {offsets = [7, 0], sizes = [1, 2048], strides = [1, 1]} : vector<8x2048xf32> to vector<1x2048xf32>
    %slice3A_235 = vector.extract_strided_slice %add3A_233 {offsets = [0, 0], sizes = [7, 2048], strides = [1, 1]} : vector<8x2048xf32> to vector<7x2048xf32>
    %concatenate3A_236 = tpu.concatenate %slice3A_234, %slice3A_235 in 0 : vector<1x2048xf32>, vector<7x2048xf32> -> vector<8x2048xf32>
    %add3A_237 = arith.addf %add3A_233, %concatenate3A_236 : vector<8x2048xf32>
    %add3A_238 = arith.addf %add3A_221, %add3A_237 : vector<8x2048xf32>
    %slice3A_239 = vector.extract_strided_slice %get3A_4 {offsets = [112, 0], sizes = [8, 2048], strides = [1, 1]} : vector<256x2048xf32> to vector<8x2048xf32>
    %slice3A_240 = vector.extract_strided_slice %get3A_1 {offsets = [112, 0], sizes = [8, 2048], strides = [1, 1]} : vector<256x2048xf32> to vector<8x2048xf32>
    %sub3A_241 = arith.subf %slice3A_239, %slice3A_240 : vector<8x2048xf32>
    %mul3A_242 = arith.mulf %sub3A_241, %sub3A_241 : vector<8x2048xf32>
    %slice3A_243 = vector.extract_strided_slice %mul3A_242 {offsets = [4, 0], sizes = [4, 2048], strides = [1, 1]} : vector<8x2048xf32> to vector<4x2048xf32>
    %slice3A_244 = vector.extract_strided_slice %mul3A_242 {offsets = [0, 0], sizes = [4, 2048], strides = [1, 1]} : vector<8x2048xf32> to vector<4x2048xf32>
    %concatenate3A_245 = tpu.concatenate %slice3A_243, %slice3A_244 in 0 : vector<4x2048xf32>, vector<4x2048xf32> -> vector<8x2048xf32>
    %add3A_246 = arith.addf %mul3A_242, %concatenate3A_245 : vector<8x2048xf32>
    %slice3A_247 = vector.extract_strided_slice %add3A_246 {offsets = [6, 0], sizes = [2, 2048], strides = [1, 1]} : vector<8x2048xf32> to vector<2x2048xf32>
    %slice3A_248 = vector.extract_strided_slice %add3A_246 {offsets = [0, 0], sizes = [6, 2048], strides = [1, 1]} : vector<8x2048xf32> to vector<6x2048xf32>
    %concatenate3A_249 = tpu.concatenate %slice3A_247, %slice3A_248 in 0 : vector<2x2048xf32>, vector<6x2048xf32> -> vector<8x2048xf32>
    %add3A_250 = arith.addf %add3A_246, %concatenate3A_249 : vector<8x2048xf32>
    %slice3A_251 = vector.extract_strided_slice %add3A_250 {offsets = [7, 0], sizes = [1, 2048], strides = [1, 1]} : vector<8x2048xf32> to vector<1x2048xf32>
    %slice3A_252 = vector.extract_strided_slice %add3A_250 {offsets = [0, 0], sizes = [7, 2048], strides = [1, 1]} : vector<8x2048xf32> to vector<7x2048xf32>
    %concatenate3A_253 = tpu.concatenate %slice3A_251, %slice3A_252 in 0 : vector<1x2048xf32>, vector<7x2048xf32> -> vector<8x2048xf32>
    %add3A_254 = arith.addf %add3A_250, %concatenate3A_253 : vector<8x2048xf32>
    %add3A_255 = arith.addf %add3A_238, %add3A_254 : vector<8x2048xf32>
    %slice3A_256 = vector.extract_strided_slice %get3A_4 {offsets = [120, 0], sizes = [8, 2048], strides = [1, 1]} : vector<256x2048xf32> to vector<8x2048xf32>
    %slice3A_257 = vector.extract_strided_slice %get3A_1 {offsets = [120, 0], sizes = [8, 2048], strides = [1, 1]} : vector<256x2048xf32> to vector<8x2048xf32>
    %sub3A_258 = arith.subf %slice3A_256, %slice3A_257 : vector<8x2048xf32>
    %mul3A_259 = arith.mulf %sub3A_258, %sub3A_258 : vector<8x2048xf32>
    %slice3A_260 = vector.extract_strided_slice %mul3A_259 {offsets = [4, 0], sizes = [4, 2048], strides = [1, 1]} : vector<8x2048xf32> to vector<4x2048xf32>
    %slice3A_261 = vector.extract_strided_slice %mul3A_259 {offsets = [0, 0], sizes = [4, 2048], strides = [1, 1]} : vector<8x2048xf32> to vector<4x2048xf32>
    %concatenate3A_262 = tpu.concatenate %slice3A_260, %slice3A_261 in 0 : vector<4x2048xf32>, vector<4x2048xf32> -> vector<8x2048xf32>
    %add3A_263 = arith.addf %mul3A_259, %concatenate3A_262 : vector<8x2048xf32>
    %slice3A_264 = vector.extract_strided_slice %add3A_263 {offsets = [6, 0], sizes = [2, 2048], strides = [1, 1]} : vector<8x2048xf32> to vector<2x2048xf32>
    %slice3A_265 = vector.extract_strided_slice %add3A_263 {offsets = [0, 0], sizes = [6, 2048], strides = [1, 1]} : vector<8x2048xf32> to vector<6x2048xf32>
    %concatenate3A_266 = tpu.concatenate %slice3A_264, %slice3A_265 in 0 : vector<2x2048xf32>, vector<6x2048xf32> -> vector<8x2048xf32>
    %add3A_267 = arith.addf %add3A_263, %concatenate3A_266 : vector<8x2048xf32>
    %slice3A_268 = vector.extract_strided_slice %add3A_267 {offsets = [7, 0], sizes = [1, 2048], strides = [1, 1]} : vector<8x2048xf32> to vector<1x2048xf32>
    %slice3A_269 = vector.extract_strided_slice %add3A_267 {offsets = [0, 0], sizes = [7, 2048], strides = [1, 1]} : vector<8x2048xf32> to vector<7x2048xf32>
    %concatenate3A_270 = tpu.concatenate %slice3A_268, %slice3A_269 in 0 : vector<1x2048xf32>, vector<7x2048xf32> -> vector<8x2048xf32>
    %add3A_271 = arith.addf %add3A_267, %concatenate3A_270 : vector<8x2048xf32>
    %add3A_272 = arith.addf %add3A_255, %add3A_271 : vector<8x2048xf32>
    %slice3A_273 = vector.extract_strided_slice %get3A_4 {offsets = [128, 0], sizes = [8, 2048], strides = [1, 1]} : vector<256x2048xf32> to vector<8x2048xf32>
    %slice3A_274 = vector.extract_strided_slice %get3A_1 {offsets = [128, 0], sizes = [8, 2048], strides = [1, 1]} : vector<256x2048xf32> to vector<8x2048xf32>
    %sub3A_275 = arith.subf %slice3A_273, %slice3A_274 : vector<8x2048xf32>
    %mul3A_276 = arith.mulf %sub3A_275, %sub3A_275 : vector<8x2048xf32>
    %slice3A_277 = vector.extract_strided_slice %mul3A_276 {offsets = [4, 0], sizes = [4, 2048], strides = [1, 1]} : vector<8x2048xf32> to vector<4x2048xf32>
    %slice3A_278 = vector.extract_strided_slice %mul3A_276 {offsets = [0, 0], sizes = [4, 2048], strides = [1, 1]} : vector<8x2048xf32> to vector<4x2048xf32>
    %concatenate3A_279 = tpu.concatenate %slice3A_277, %slice3A_278 in 0 : vector<4x2048xf32>, vector<4x2048xf32> -> vector<8x2048xf32>
    %add3A_280 = arith.addf %mul3A_276, %concatenate3A_279 : vector<8x2048xf32>
    %slice3A_281 = vector.extract_strided_slice %add3A_280 {offsets = [6, 0], sizes = [2, 2048], strides = [1, 1]} : vector<8x2048xf32> to vector<2x2048xf32>
    %slice3A_282 = vector.extract_strided_slice %add3A_280 {offsets = [0, 0], sizes = [6, 2048], strides = [1, 1]} : vector<8x2048xf32> to vector<6x2048xf32>
    %concatenate3A_283 = tpu.concatenate %slice3A_281, %slice3A_282 in 0 : vector<2x2048xf32>, vector<6x2048xf32> -> vector<8x2048xf32>
    %add3A_284 = arith.addf %add3A_280, %concatenate3A_283 : vector<8x2048xf32>
    %slice3A_285 = vector.extract_strided_slice %add3A_284 {offsets = [7, 0], sizes = [1, 2048], strides = [1, 1]} : vector<8x2048xf32> to vector<1x2048xf32>
    %slice3A_286 = vector.extract_strided_slice %add3A_284 {offsets = [0, 0], sizes = [7, 2048], strides = [1, 1]} : vector<8x2048xf32> to vector<7x2048xf32>
    %concatenate3A_287 = tpu.concatenate %slice3A_285, %slice3A_286 in 0 : vector<1x2048xf32>, vector<7x2048xf32> -> vector<8x2048xf32>
    %add3A_288 = arith.addf %add3A_284, %concatenate3A_287 : vector<8x2048xf32>
    %add3A_289 = arith.addf %add3A_272, %add3A_288 : vector<8x2048xf32>
    %slice3A_290 = vector.extract_strided_slice %get3A_4 {offsets = [136, 0], sizes = [8, 2048], strides = [1, 1]} : vector<256x2048xf32> to vector<8x2048xf32>
    %slice3A_291 = vector.extract_strided_slice %get3A_1 {offsets = [136, 0], sizes = [8, 2048], strides = [1, 1]} : vector<256x2048xf32> to vector<8x2048xf32>
    %sub3A_292 = arith.subf %slice3A_290, %slice3A_291 : vector<8x2048xf32>
    %mul3A_293 = arith.mulf %sub3A_292, %sub3A_292 : vector<8x2048xf32>
    %slice3A_294 = vector.extract_strided_slice %mul3A_293 {offsets = [4, 0], sizes = [4, 2048], strides = [1, 1]} : vector<8x2048xf32> to vector<4x2048xf32>
    %slice3A_295 = vector.extract_strided_slice %mul3A_293 {offsets = [0, 0], sizes = [4, 2048], strides = [1, 1]} : vector<8x2048xf32> to vector<4x2048xf32>
    %concatenate3A_296 = tpu.concatenate %slice3A_294, %slice3A_295 in 0 : vector<4x2048xf32>, vector<4x2048xf32> -> vector<8x2048xf32>
    %add3A_297 = arith.addf %mul3A_293, %concatenate3A_296 : vector<8x2048xf32>
    %slice3A_298 = vector.extract_strided_slice %add3A_297 {offsets = [6, 0], sizes = [2, 2048], strides = [1, 1]} : vector<8x2048xf32> to vector<2x2048xf32>
    %slice3A_299 = vector.extract_strided_slice %add3A_297 {offsets = [0, 0], sizes = [6, 2048], strides = [1, 1]} : vector<8x2048xf32> to vector<6x2048xf32>
    %concatenate3A_300 = tpu.concatenate %slice3A_298, %slice3A_299 in 0 : vector<2x2048xf32>, vector<6x2048xf32> -> vector<8x2048xf32>
    %add3A_301 = arith.addf %add3A_297, %concatenate3A_300 : vector<8x2048xf32>
    %slice3A_302 = vector.extract_strided_slice %add3A_301 {offsets = [7, 0], sizes = [1, 2048], strides = [1, 1]} : vector<8x2048xf32> to vector<1x2048xf32>
    %slice3A_303 = vector.extract_strided_slice %add3A_301 {offsets = [0, 0], sizes = [7, 2048], strides = [1, 1]} : vector<8x2048xf32> to vector<7x2048xf32>
    %concatenate3A_304 = tpu.concatenate %slice3A_302, %slice3A_303 in 0 : vector<1x2048xf32>, vector<7x2048xf32> -> vector<8x2048xf32>
    %add3A_305 = arith.addf %add3A_301, %concatenate3A_304 : vector<8x2048xf32>
    %add3A_306 = arith.addf %add3A_289, %add3A_305 : vector<8x2048xf32>
    %slice3A_307 = vector.extract_strided_slice %get3A_4 {offsets = [144, 0], sizes = [8, 2048], strides = [1, 1]} : vector<256x2048xf32> to vector<8x2048xf32>
    %slice3A_308 = vector.extract_strided_slice %get3A_1 {offsets = [144, 0], sizes = [8, 2048], strides = [1, 1]} : vector<256x2048xf32> to vector<8x2048xf32>
    %sub3A_309 = arith.subf %slice3A_307, %slice3A_308 : vector<8x2048xf32>
    %mul3A_310 = arith.mulf %sub3A_309, %sub3A_309 : vector<8x2048xf32>
    %slice3A_311 = vector.extract_strided_slice %mul3A_310 {offsets = [4, 0], sizes = [4, 2048], strides = [1, 1]} : vector<8x2048xf32> to vector<4x2048xf32>
    %slice3A_312 = vector.extract_strided_slice %mul3A_310 {offsets = [0, 0], sizes = [4, 2048], strides = [1, 1]} : vector<8x2048xf32> to vector<4x2048xf32>
    %concatenate3A_313 = tpu.concatenate %slice3A_311, %slice3A_312 in 0 : vector<4x2048xf32>, vector<4x2048xf32> -> vector<8x2048xf32>
    %add3A_314 = arith.addf %mul3A_310, %concatenate3A_313 : vector<8x2048xf32>
    %slice3A_315 = vector.extract_strided_slice %add3A_314 {offsets = [6, 0], sizes = [2, 2048], strides = [1, 1]} : vector<8x2048xf32> to vector<2x2048xf32>
    %slice3A_316 = vector.extract_strided_slice %add3A_314 {offsets = [0, 0], sizes = [6, 2048], strides = [1, 1]} : vector<8x2048xf32> to vector<6x2048xf32>
    %concatenate3A_317 = tpu.concatenate %slice3A_315, %slice3A_316 in 0 : vector<2x2048xf32>, vector<6x2048xf32> -> vector<8x2048xf32>
    %add3A_318 = arith.addf %add3A_314, %concatenate3A_317 : vector<8x2048xf32>
    %slice3A_319 = vector.extract_strided_slice %add3A_318 {offsets = [7, 0], sizes = [1, 2048], strides = [1, 1]} : vector<8x2048xf32> to vector<1x2048xf32>
    %slice3A_320 = vector.extract_strided_slice %add3A_318 {offsets = [0, 0], sizes = [7, 2048], strides = [1, 1]} : vector<8x2048xf32> to vector<7x2048xf32>
    %concatenate3A_321 = tpu.concatenate %slice3A_319, %slice3A_320 in 0 : vector<1x2048xf32>, vector<7x2048xf32> -> vector<8x2048xf32>
    %add3A_322 = arith.addf %add3A_318, %concatenate3A_321 : vector<8x2048xf32>
    %add3A_323 = arith.addf %add3A_306, %add3A_322 : vector<8x2048xf32>
    %slice3A_324 = vector.extract_strided_slice %get3A_4 {offsets = [152, 0], sizes = [8, 2048], strides = [1, 1]} : vector<256x2048xf32> to vector<8x2048xf32>
    %slice3A_325 = vector.extract_strided_slice %get3A_1 {offsets = [152, 0], sizes = [8, 2048], strides = [1, 1]} : vector<256x2048xf32> to vector<8x2048xf32>
    %sub3A_326 = arith.subf %slice3A_324, %slice3A_325 : vector<8x2048xf32>
    %mul3A_327 = arith.mulf %sub3A_326, %sub3A_326 : vector<8x2048xf32>
    %slice3A_328 = vector.extract_strided_slice %mul3A_327 {offsets = [4, 0], sizes = [4, 2048], strides = [1, 1]} : vector<8x2048xf32> to vector<4x2048xf32>
    %slice3A_329 = vector.extract_strided_slice %mul3A_327 {offsets = [0, 0], sizes = [4, 2048], strides = [1, 1]} : vector<8x2048xf32> to vector<4x2048xf32>
    %concatenate3A_330 = tpu.concatenate %slice3A_328, %slice3A_329 in 0 : vector<4x2048xf32>, vector<4x2048xf32> -> vector<8x2048xf32>
    %add3A_331 = arith.addf %mul3A_327, %concatenate3A_330 : vector<8x2048xf32>
    %slice3A_332 = vector.extract_strided_slice %add3A_331 {offsets = [6, 0], sizes = [2, 2048], strides = [1, 1]} : vector<8x2048xf32> to vector<2x2048xf32>
    %slice3A_333 = vector.extract_strided_slice %add3A_331 {offsets = [0, 0], sizes = [6, 2048], strides = [1, 1]} : vector<8x2048xf32> to vector<6x2048xf32>
    %concatenate3A_334 = tpu.concatenate %slice3A_332, %slice3A_333 in 0 : vector<2x2048xf32>, vector<6x2048xf32> -> vector<8x2048xf32>
    %add3A_335 = arith.addf %add3A_331, %concatenate3A_334 : vector<8x2048xf32>
    %slice3A_336 = vector.extract_strided_slice %add3A_335 {offsets = [7, 0], sizes = [1, 2048], strides = [1, 1]} : vector<8x2048xf32> to vector<1x2048xf32>
    %slice3A_337 = vector.extract_strided_slice %add3A_335 {offsets = [0, 0], sizes = [7, 2048], strides = [1, 1]} : vector<8x2048xf32> to vector<7x2048xf32>
    %concatenate3A_338 = tpu.concatenate %slice3A_336, %slice3A_337 in 0 : vector<1x2048xf32>, vector<7x2048xf32> -> vector<8x2048xf32>
    %add3A_339 = arith.addf %add3A_335, %concatenate3A_338 : vector<8x2048xf32>
    %add3A_340 = arith.addf %add3A_323, %add3A_339 : vector<8x2048xf32>
    %slice3A_341 = vector.extract_strided_slice %get3A_4 {offsets = [160, 0], sizes = [8, 2048], strides = [1, 1]} : vector<256x2048xf32> to vector<8x2048xf32>
    %slice3A_342 = vector.extract_strided_slice %get3A_1 {offsets = [160, 0], sizes = [8, 2048], strides = [1, 1]} : vector<256x2048xf32> to vector<8x2048xf32>
    %sub3A_343 = arith.subf %slice3A_341, %slice3A_342 : vector<8x2048xf32>
    %mul3A_344 = arith.mulf %sub3A_343, %sub3A_343 : vector<8x2048xf32>
    %slice3A_345 = vector.extract_strided_slice %mul3A_344 {offsets = [4, 0], sizes = [4, 2048], strides = [1, 1]} : vector<8x2048xf32> to vector<4x2048xf32>
    %slice3A_346 = vector.extract_strided_slice %mul3A_344 {offsets = [0, 0], sizes = [4, 2048], strides = [1, 1]} : vector<8x2048xf32> to vector<4x2048xf32>
    %concatenate3A_347 = tpu.concatenate %slice3A_345, %slice3A_346 in 0 : vector<4x2048xf32>, vector<4x2048xf32> -> vector<8x2048xf32>
    %add3A_348 = arith.addf %mul3A_344, %concatenate3A_347 : vector<8x2048xf32>
    %slice3A_349 = vector.extract_strided_slice %add3A_348 {offsets = [6, 0], sizes = [2, 2048], strides = [1, 1]} : vector<8x2048xf32> to vector<2x2048xf32>
    %slice3A_350 = vector.extract_strided_slice %add3A_348 {offsets = [0, 0], sizes = [6, 2048], strides = [1, 1]} : vector<8x2048xf32> to vector<6x2048xf32>
    %concatenate3A_351 = tpu.concatenate %slice3A_349, %slice3A_350 in 0 : vector<2x2048xf32>, vector<6x2048xf32> -> vector<8x2048xf32>
    %add3A_352 = arith.addf %add3A_348, %concatenate3A_351 : vector<8x2048xf32>
    %slice3A_353 = vector.extract_strided_slice %add3A_352 {offsets = [7, 0], sizes = [1, 2048], strides = [1, 1]} : vector<8x2048xf32> to vector<1x2048xf32>
    %slice3A_354 = vector.extract_strided_slice %add3A_352 {offsets = [0, 0], sizes = [7, 2048], strides = [1, 1]} : vector<8x2048xf32> to vector<7x2048xf32>
    %concatenate3A_355 = tpu.concatenate %slice3A_353, %slice3A_354 in 0 : vector<1x2048xf32>, vector<7x2048xf32> -> vector<8x2048xf32>
    %add3A_356 = arith.addf %add3A_352, %concatenate3A_355 : vector<8x2048xf32>
    %add3A_357 = arith.addf %add3A_340, %add3A_356 : vector<8x2048xf32>
    %slice3A_358 = vector.extract_strided_slice %get3A_4 {offsets = [168, 0], sizes = [8, 2048], strides = [1, 1]} : vector<256x2048xf32> to vector<8x2048xf32>
    %slice3A_359 = vector.extract_strided_slice %get3A_1 {offsets = [168, 0], sizes = [8, 2048], strides = [1, 1]} : vector<256x2048xf32> to vector<8x2048xf32>
    %sub3A_360 = arith.subf %slice3A_358, %slice3A_359 : vector<8x2048xf32>
    %mul3A_361 = arith.mulf %sub3A_360, %sub3A_360 : vector<8x2048xf32>
    %slice3A_362 = vector.extract_strided_slice %mul3A_361 {offsets = [4, 0], sizes = [4, 2048], strides = [1, 1]} : vector<8x2048xf32> to vector<4x2048xf32>
    %slice3A_363 = vector.extract_strided_slice %mul3A_361 {offsets = [0, 0], sizes = [4, 2048], strides = [1, 1]} : vector<8x2048xf32> to vector<4x2048xf32>
    %concatenate3A_364 = tpu.concatenate %slice3A_362, %slice3A_363 in 0 : vector<4x2048xf32>, vector<4x2048xf32> -> vector<8x2048xf32>
    %add3A_365 = arith.addf %mul3A_361, %concatenate3A_364 : vector<8x2048xf32>
    %slice3A_366 = vector.extract_strided_slice %add3A_365 {offsets = [6, 0], sizes = [2, 2048], strides = [1, 1]} : vector<8x2048xf32> to vector<2x2048xf32>
    %slice3A_367 = vector.extract_strided_slice %add3A_365 {offsets = [0, 0], sizes = [6, 2048], strides = [1, 1]} : vector<8x2048xf32> to vector<6x2048xf32>
    %concatenate3A_368 = tpu.concatenate %slice3A_366, %slice3A_367 in 0 : vector<2x2048xf32>, vector<6x2048xf32> -> vector<8x2048xf32>
    %add3A_369 = arith.addf %add3A_365, %concatenate3A_368 : vector<8x2048xf32>
    %slice3A_370 = vector.extract_strided_slice %add3A_369 {offsets = [7, 0], sizes = [1, 2048], strides = [1, 1]} : vector<8x2048xf32> to vector<1x2048xf32>
    %slice3A_371 = vector.extract_strided_slice %add3A_369 {offsets = [0, 0], sizes = [7, 2048], strides = [1, 1]} : vector<8x2048xf32> to vector<7x2048xf32>
    %concatenate3A_372 = tpu.concatenate %slice3A_370, %slice3A_371 in 0 : vector<1x2048xf32>, vector<7x2048xf32> -> vector<8x2048xf32>
    %add3A_373 = arith.addf %add3A_369, %concatenate3A_372 : vector<8x2048xf32>
    %add3A_374 = arith.addf %add3A_357, %add3A_373 : vector<8x2048xf32>
    %slice3A_375 = vector.extract_strided_slice %get3A_4 {offsets = [176, 0], sizes = [8, 2048], strides = [1, 1]} : vector<256x2048xf32> to vector<8x2048xf32>
    %slice3A_376 = vector.extract_strided_slice %get3A_1 {offsets = [176, 0], sizes = [8, 2048], strides = [1, 1]} : vector<256x2048xf32> to vector<8x2048xf32>
    %sub3A_377 = arith.subf %slice3A_375, %slice3A_376 : vector<8x2048xf32>
    %mul3A_378 = arith.mulf %sub3A_377, %sub3A_377 : vector<8x2048xf32>
    %slice3A_379 = vector.extract_strided_slice %mul3A_378 {offsets = [4, 0], sizes = [4, 2048], strides = [1, 1]} : vector<8x2048xf32> to vector<4x2048xf32>
    %slice3A_380 = vector.extract_strided_slice %mul3A_378 {offsets = [0, 0], sizes = [4, 2048], strides = [1, 1]} : vector<8x2048xf32> to vector<4x2048xf32>
    %concatenate3A_381 = tpu.concatenate %slice3A_379, %slice3A_380 in 0 : vector<4x2048xf32>, vector<4x2048xf32> -> vector<8x2048xf32>
    %add3A_382 = arith.addf %mul3A_378, %concatenate3A_381 : vector<8x2048xf32>
    %slice3A_383 = vector.extract_strided_slice %add3A_382 {offsets = [6, 0], sizes = [2, 2048], strides = [1, 1]} : vector<8x2048xf32> to vector<2x2048xf32>
    %slice3A_384 = vector.extract_strided_slice %add3A_382 {offsets = [0, 0], sizes = [6, 2048], strides = [1, 1]} : vector<8x2048xf32> to vector<6x2048xf32>
    %concatenate3A_385 = tpu.concatenate %slice3A_383, %slice3A_384 in 0 : vector<2x2048xf32>, vector<6x2048xf32> -> vector<8x2048xf32>
    %add3A_386 = arith.addf %add3A_382, %concatenate3A_385 : vector<8x2048xf32>
    %slice3A_387 = vector.extract_strided_slice %add3A_386 {offsets = [7, 0], sizes = [1, 2048], strides = [1, 1]} : vector<8x2048xf32> to vector<1x2048xf32>
    %slice3A_388 = vector.extract_strided_slice %add3A_386 {offsets = [0, 0], sizes = [7, 2048], strides = [1, 1]} : vector<8x2048xf32> to vector<7x2048xf32>
    %concatenate3A_389 = tpu.concatenate %slice3A_387, %slice3A_388 in 0 : vector<1x2048xf32>, vector<7x2048xf32> -> vector<8x2048xf32>
    %add3A_390 = arith.addf %add3A_386, %concatenate3A_389 : vector<8x2048xf32>
    %add3A_391 = arith.addf %add3A_374, %add3A_390 : vector<8x2048xf32>
    %slice3A_392 = vector.extract_strided_slice %get3A_4 {offsets = [184, 0], sizes = [8, 2048], strides = [1, 1]} : vector<256x2048xf32> to vector<8x2048xf32>
    %slice3A_393 = vector.extract_strided_slice %get3A_1 {offsets = [184, 0], sizes = [8, 2048], strides = [1, 1]} : vector<256x2048xf32> to vector<8x2048xf32>
    %sub3A_394 = arith.subf %slice3A_392, %slice3A_393 : vector<8x2048xf32>
    %mul3A_395 = arith.mulf %sub3A_394, %sub3A_394 : vector<8x2048xf32>
    %slice3A_396 = vector.extract_strided_slice %mul3A_395 {offsets = [4, 0], sizes = [4, 2048], strides = [1, 1]} : vector<8x2048xf32> to vector<4x2048xf32>
    %slice3A_397 = vector.extract_strided_slice %mul3A_395 {offsets = [0, 0], sizes = [4, 2048], strides = [1, 1]} : vector<8x2048xf32> to vector<4x2048xf32>
    %concatenate3A_398 = tpu.concatenate %slice3A_396, %slice3A_397 in 0 : vector<4x2048xf32>, vector<4x2048xf32> -> vector<8x2048xf32>
    %add3A_399 = arith.addf %mul3A_395, %concatenate3A_398 : vector<8x2048xf32>
    %slice3A_400 = vector.extract_strided_slice %add3A_399 {offsets = [6, 0], sizes = [2, 2048], strides = [1, 1]} : vector<8x2048xf32> to vector<2x2048xf32>
    %slice3A_401 = vector.extract_strided_slice %add3A_399 {offsets = [0, 0], sizes = [6, 2048], strides = [1, 1]} : vector<8x2048xf32> to vector<6x2048xf32>
    %concatenate3A_402 = tpu.concatenate %slice3A_400, %slice3A_401 in 0 : vector<2x2048xf32>, vector<6x2048xf32> -> vector<8x2048xf32>
    %add3A_403 = arith.addf %add3A_399, %concatenate3A_402 : vector<8x2048xf32>
    %slice3A_404 = vector.extract_strided_slice %add3A_403 {offsets = [7, 0], sizes = [1, 2048], strides = [1, 1]} : vector<8x2048xf32> to vector<1x2048xf32>
    %slice3A_405 = vector.extract_strided_slice %add3A_403 {offsets = [0, 0], sizes = [7, 2048], strides = [1, 1]} : vector<8x2048xf32> to vector<7x2048xf32>
    %concatenate3A_406 = tpu.concatenate %slice3A_404, %slice3A_405 in 0 : vector<1x2048xf32>, vector<7x2048xf32> -> vector<8x2048xf32>
    %add3A_407 = arith.addf %add3A_403, %concatenate3A_406 : vector<8x2048xf32>
    %add3A_408 = arith.addf %add3A_391, %add3A_407 : vector<8x2048xf32>
    %slice3A_409 = vector.extract_strided_slice %get3A_4 {offsets = [192, 0], sizes = [8, 2048], strides = [1, 1]} : vector<256x2048xf32> to vector<8x2048xf32>
    %slice3A_410 = vector.extract_strided_slice %get3A_1 {offsets = [192, 0], sizes = [8, 2048], strides = [1, 1]} : vector<256x2048xf32> to vector<8x2048xf32>
    %sub3A_411 = arith.subf %slice3A_409, %slice3A_410 : vector<8x2048xf32>
    %mul3A_412 = arith.mulf %sub3A_411, %sub3A_411 : vector<8x2048xf32>
    %slice3A_413 = vector.extract_strided_slice %mul3A_412 {offsets = [4, 0], sizes = [4, 2048], strides = [1, 1]} : vector<8x2048xf32> to vector<4x2048xf32>
    %slice3A_414 = vector.extract_strided_slice %mul3A_412 {offsets = [0, 0], sizes = [4, 2048], strides = [1, 1]} : vector<8x2048xf32> to vector<4x2048xf32>
    %concatenate3A_415 = tpu.concatenate %slice3A_413, %slice3A_414 in 0 : vector<4x2048xf32>, vector<4x2048xf32> -> vector<8x2048xf32>
    %add3A_416 = arith.addf %mul3A_412, %concatenate3A_415 : vector<8x2048xf32>
    %slice3A_417 = vector.extract_strided_slice %add3A_416 {offsets = [6, 0], sizes = [2, 2048], strides = [1, 1]} : vector<8x2048xf32> to vector<2x2048xf32>
    %slice3A_418 = vector.extract_strided_slice %add3A_416 {offsets = [0, 0], sizes = [6, 2048], strides = [1, 1]} : vector<8x2048xf32> to vector<6x2048xf32>
    %concatenate3A_419 = tpu.concatenate %slice3A_417, %slice3A_418 in 0 : vector<2x2048xf32>, vector<6x2048xf32> -> vector<8x2048xf32>
    %add3A_420 = arith.addf %add3A_416, %concatenate3A_419 : vector<8x2048xf32>
    %slice3A_421 = vector.extract_strided_slice %add3A_420 {offsets = [7, 0], sizes = [1, 2048], strides = [1, 1]} : vector<8x2048xf32> to vector<1x2048xf32>
    %slice3A_422 = vector.extract_strided_slice %add3A_420 {offsets = [0, 0], sizes = [7, 2048], strides = [1, 1]} : vector<8x2048xf32> to vector<7x2048xf32>
    %concatenate3A_423 = tpu.concatenate %slice3A_421, %slice3A_422 in 0 : vector<1x2048xf32>, vector<7x2048xf32> -> vector<8x2048xf32>
    %add3A_424 = arith.addf %add3A_420, %concatenate3A_423 : vector<8x2048xf32>
    %add3A_425 = arith.addf %add3A_408, %add3A_424 : vector<8x2048xf32>
    %slice3A_426 = vector.extract_strided_slice %get3A_4 {offsets = [200, 0], sizes = [8, 2048], strides = [1, 1]} : vector<256x2048xf32> to vector<8x2048xf32>
    %slice3A_427 = vector.extract_strided_slice %get3A_1 {offsets = [200, 0], sizes = [8, 2048], strides = [1, 1]} : vector<256x2048xf32> to vector<8x2048xf32>
    %sub3A_428 = arith.subf %slice3A_426, %slice3A_427 : vector<8x2048xf32>
    %mul3A_429 = arith.mulf %sub3A_428, %sub3A_428 : vector<8x2048xf32>
    %slice3A_430 = vector.extract_strided_slice %mul3A_429 {offsets = [4, 0], sizes = [4, 2048], strides = [1, 1]} : vector<8x2048xf32> to vector<4x2048xf32>
    %slice3A_431 = vector.extract_strided_slice %mul3A_429 {offsets = [0, 0], sizes = [4, 2048], strides = [1, 1]} : vector<8x2048xf32> to vector<4x2048xf32>
    %concatenate3A_432 = tpu.concatenate %slice3A_430, %slice3A_431 in 0 : vector<4x2048xf32>, vector<4x2048xf32> -> vector<8x2048xf32>
    %add3A_433 = arith.addf %mul3A_429, %concatenate3A_432 : vector<8x2048xf32>
    %slice3A_434 = vector.extract_strided_slice %add3A_433 {offsets = [6, 0], sizes = [2, 2048], strides = [1, 1]} : vector<8x2048xf32> to vector<2x2048xf32>
    %slice3A_435 = vector.extract_strided_slice %add3A_433 {offsets = [0, 0], sizes = [6, 2048], strides = [1, 1]} : vector<8x2048xf32> to vector<6x2048xf32>
    %concatenate3A_436 = tpu.concatenate %slice3A_434, %slice3A_435 in 0 : vector<2x2048xf32>, vector<6x2048xf32> -> vector<8x2048xf32>
    %add3A_437 = arith.addf %add3A_433, %concatenate3A_436 : vector<8x2048xf32>
    %slice3A_438 = vector.extract_strided_slice %add3A_437 {offsets = [7, 0], sizes = [1, 2048], strides = [1, 1]} : vector<8x2048xf32> to vector<1x2048xf32>
    %slice3A_439 = vector.extract_strided_slice %add3A_437 {offsets = [0, 0], sizes = [7, 2048], strides = [1, 1]} : vector<8x2048xf32> to vector<7x2048xf32>
    %concatenate3A_440 = tpu.concatenate %slice3A_438, %slice3A_439 in 0 : vector<1x2048xf32>, vector<7x2048xf32> -> vector<8x2048xf32>
    %add3A_441 = arith.addf %add3A_437, %concatenate3A_440 : vector<8x2048xf32>
    %add3A_442 = arith.addf %add3A_425, %add3A_441 : vector<8x2048xf32>
    %slice3A_443 = vector.extract_strided_slice %get3A_4 {offsets = [208, 0], sizes = [8, 2048], strides = [1, 1]} : vector<256x2048xf32> to vector<8x2048xf32>
    %slice3A_444 = vector.extract_strided_slice %get3A_1 {offsets = [208, 0], sizes = [8, 2048], strides = [1, 1]} : vector<256x2048xf32> to vector<8x2048xf32>
    %sub3A_445 = arith.subf %slice3A_443, %slice3A_444 : vector<8x2048xf32>
    %mul3A_446 = arith.mulf %sub3A_445, %sub3A_445 : vector<8x2048xf32>
    %slice3A_447 = vector.extract_strided_slice %mul3A_446 {offsets = [4, 0], sizes = [4, 2048], strides = [1, 1]} : vector<8x2048xf32> to vector<4x2048xf32>
    %slice3A_448 = vector.extract_strided_slice %mul3A_446 {offsets = [0, 0], sizes = [4, 2048], strides = [1, 1]} : vector<8x2048xf32> to vector<4x2048xf32>
    %concatenate3A_449 = tpu.concatenate %slice3A_447, %slice3A_448 in 0 : vector<4x2048xf32>, vector<4x2048xf32> -> vector<8x2048xf32>
    %add3A_450 = arith.addf %mul3A_446, %concatenate3A_449 : vector<8x2048xf32>
    %slice3A_451 = vector.extract_strided_slice %add3A_450 {offsets = [6, 0], sizes = [2, 2048], strides = [1, 1]} : vector<8x2048xf32> to vector<2x2048xf32>
    %slice3A_452 = vector.extract_strided_slice %add3A_450 {offsets = [0, 0], sizes = [6, 2048], strides = [1, 1]} : vector<8x2048xf32> to vector<6x2048xf32>
    %concatenate3A_453 = tpu.concatenate %slice3A_451, %slice3A_452 in 0 : vector<2x2048xf32>, vector<6x2048xf32> -> vector<8x2048xf32>
    %add3A_454 = arith.addf %add3A_450, %concatenate3A_453 : vector<8x2048xf32>
    %slice3A_455 = vector.extract_strided_slice %add3A_454 {offsets = [7, 0], sizes = [1, 2048], strides = [1, 1]} : vector<8x2048xf32> to vector<1x2048xf32>
    %slice3A_456 = vector.extract_strided_slice %add3A_454 {offsets = [0, 0], sizes = [7, 2048], strides = [1, 1]} : vector<8x2048xf32> to vector<7x2048xf32>
    %concatenate3A_457 = tpu.concatenate %slice3A_455, %slice3A_456 in 0 : vector<1x2048xf32>, vector<7x2048xf32> -> vector<8x2048xf32>
    %add3A_458 = arith.addf %add3A_454, %concatenate3A_457 : vector<8x2048xf32>
    %add3A_459 = arith.addf %add3A_442, %add3A_458 : vector<8x2048xf32>
    %slice3A_460 = vector.extract_strided_slice %get3A_4 {offsets = [216, 0], sizes = [8, 2048], strides = [1, 1]} : vector<256x2048xf32> to vector<8x2048xf32>
    %slice3A_461 = vector.extract_strided_slice %get3A_1 {offsets = [216, 0], sizes = [8, 2048], strides = [1, 1]} : vector<256x2048xf32> to vector<8x2048xf32>
    %sub3A_462 = arith.subf %slice3A_460, %slice3A_461 : vector<8x2048xf32>
    %mul3A_463 = arith.mulf %sub3A_462, %sub3A_462 : vector<8x2048xf32>
    %slice3A_464 = vector.extract_strided_slice %mul3A_463 {offsets = [4, 0], sizes = [4, 2048], strides = [1, 1]} : vector<8x2048xf32> to vector<4x2048xf32>
    %slice3A_465 = vector.extract_strided_slice %mul3A_463 {offsets = [0, 0], sizes = [4, 2048], strides = [1, 1]} : vector<8x2048xf32> to vector<4x2048xf32>
    %concatenate3A_466 = tpu.concatenate %slice3A_464, %slice3A_465 in 0 : vector<4x2048xf32>, vector<4x2048xf32> -> vector<8x2048xf32>
    %add3A_467 = arith.addf %mul3A_463, %concatenate3A_466 : vector<8x2048xf32>
    %slice3A_468 = vector.extract_strided_slice %add3A_467 {offsets = [6, 0], sizes = [2, 2048], strides = [1, 1]} : vector<8x2048xf32> to vector<2x2048xf32>
    %slice3A_469 = vector.extract_strided_slice %add3A_467 {offsets = [0, 0], sizes = [6, 2048], strides = [1, 1]} : vector<8x2048xf32> to vector<6x2048xf32>
    %concatenate3A_470 = tpu.concatenate %slice3A_468, %slice3A_469 in 0 : vector<2x2048xf32>, vector<6x2048xf32> -> vector<8x2048xf32>
    %add3A_471 = arith.addf %add3A_467, %concatenate3A_470 : vector<8x2048xf32>
    %slice3A_472 = vector.extract_strided_slice %add3A_471 {offsets = [7, 0], sizes = [1, 2048], strides = [1, 1]} : vector<8x2048xf32> to vector<1x2048xf32>
    %slice3A_473 = vector.extract_strided_slice %add3A_471 {offsets = [0, 0], sizes = [7, 2048], strides = [1, 1]} : vector<8x2048xf32> to vector<7x2048xf32>
    %concatenate3A_474 = tpu.concatenate %slice3A_472, %slice3A_473 in 0 : vector<1x2048xf32>, vector<7x2048xf32> -> vector<8x2048xf32>
    %add3A_475 = arith.addf %add3A_471, %concatenate3A_474 : vector<8x2048xf32>
    %add3A_476 = arith.addf %add3A_459, %add3A_475 : vector<8x2048xf32>
    %slice3A_477 = vector.extract_strided_slice %get3A_4 {offsets = [224, 0], sizes = [8, 2048], strides = [1, 1]} : vector<256x2048xf32> to vector<8x2048xf32>
    %slice3A_478 = vector.extract_strided_slice %get3A_1 {offsets = [224, 0], sizes = [8, 2048], strides = [1, 1]} : vector<256x2048xf32> to vector<8x2048xf32>
    %sub3A_479 = arith.subf %slice3A_477, %slice3A_478 : vector<8x2048xf32>
    %mul3A_480 = arith.mulf %sub3A_479, %sub3A_479 : vector<8x2048xf32>
    %slice3A_481 = vector.extract_strided_slice %mul3A_480 {offsets = [4, 0], sizes = [4, 2048], strides = [1, 1]} : vector<8x2048xf32> to vector<4x2048xf32>
    %slice3A_482 = vector.extract_strided_slice %mul3A_480 {offsets = [0, 0], sizes = [4, 2048], strides = [1, 1]} : vector<8x2048xf32> to vector<4x2048xf32>
    %concatenate3A_483 = tpu.concatenate %slice3A_481, %slice3A_482 in 0 : vector<4x2048xf32>, vector<4x2048xf32> -> vector<8x2048xf32>
    %add3A_484 = arith.addf %mul3A_480, %concatenate3A_483 : vector<8x2048xf32>
    %slice3A_485 = vector.extract_strided_slice %add3A_484 {offsets = [6, 0], sizes = [2, 2048], strides = [1, 1]} : vector<8x2048xf32> to vector<2x2048xf32>
    %slice3A_486 = vector.extract_strided_slice %add3A_484 {offsets = [0, 0], sizes = [6, 2048], strides = [1, 1]} : vector<8x2048xf32> to vector<6x2048xf32>
    %concatenate3A_487 = tpu.concatenate %slice3A_485, %slice3A_486 in 0 : vector<2x2048xf32>, vector<6x2048xf32> -> vector<8x2048xf32>
    %add3A_488 = arith.addf %add3A_484, %concatenate3A_487 : vector<8x2048xf32>
    %slice3A_489 = vector.extract_strided_slice %add3A_488 {offsets = [7, 0], sizes = [1, 2048], strides = [1, 1]} : vector<8x2048xf32> to vector<1x2048xf32>
    %slice3A_490 = vector.extract_strided_slice %add3A_488 {offsets = [0, 0], sizes = [7, 2048], strides = [1, 1]} : vector<8x2048xf32> to vector<7x2048xf32>
    %concatenate3A_491 = tpu.concatenate %slice3A_489, %slice3A_490 in 0 : vector<1x2048xf32>, vector<7x2048xf32> -> vector<8x2048xf32>
    %add3A_492 = arith.addf %add3A_488, %concatenate3A_491 : vector<8x2048xf32>
    %add3A_493 = arith.addf %add3A_476, %add3A_492 : vector<8x2048xf32>
    %slice3A_494 = vector.extract_strided_slice %get3A_4 {offsets = [232, 0], sizes = [8, 2048], strides = [1, 1]} : vector<256x2048xf32> to vector<8x2048xf32>
    %slice3A_495 = vector.extract_strided_slice %get3A_1 {offsets = [232, 0], sizes = [8, 2048], strides = [1, 1]} : vector<256x2048xf32> to vector<8x2048xf32>
    %sub3A_496 = arith.subf %slice3A_494, %slice3A_495 : vector<8x2048xf32>
    %mul3A_497 = arith.mulf %sub3A_496, %sub3A_496 : vector<8x2048xf32>
    %slice3A_498 = vector.extract_strided_slice %mul3A_497 {offsets = [4, 0], sizes = [4, 2048], strides = [1, 1]} : vector<8x2048xf32> to vector<4x2048xf32>
    %slice3A_499 = vector.extract_strided_slice %mul3A_497 {offsets = [0, 0], sizes = [4, 2048], strides = [1, 1]} : vector<8x2048xf32> to vector<4x2048xf32>
    %concatenate3A_500 = tpu.concatenate %slice3A_498, %slice3A_499 in 0 : vector<4x2048xf32>, vector<4x2048xf32> -> vector<8x2048xf32>
    %add3A_501 = arith.addf %mul3A_497, %concatenate3A_500 : vector<8x2048xf32>
    %slice3A_502 = vector.extract_strided_slice %add3A_501 {offsets = [6, 0], sizes = [2, 2048], strides = [1, 1]} : vector<8x2048xf32> to vector<2x2048xf32>
    %slice3A_503 = vector.extract_strided_slice %add3A_501 {offsets = [0, 0], sizes = [6, 2048], strides = [1, 1]} : vector<8x2048xf32> to vector<6x2048xf32>
    %concatenate3A_504 = tpu.concatenate %slice3A_502, %slice3A_503 in 0 : vector<2x2048xf32>, vector<6x2048xf32> -> vector<8x2048xf32>
    %add3A_505 = arith.addf %add3A_501, %concatenate3A_504 : vector<8x2048xf32>
    %slice3A_506 = vector.extract_strided_slice %add3A_505 {offsets = [7, 0], sizes = [1, 2048], strides = [1, 1]} : vector<8x2048xf32> to vector<1x2048xf32>
    %slice3A_507 = vector.extract_strided_slice %add3A_505 {offsets = [0, 0], sizes = [7, 2048], strides = [1, 1]} : vector<8x2048xf32> to vector<7x2048xf32>
    %concatenate3A_508 = tpu.concatenate %slice3A_506, %slice3A_507 in 0 : vector<1x2048xf32>, vector<7x2048xf32> -> vector<8x2048xf32>
    %add3A_509 = arith.addf %add3A_505, %concatenate3A_508 : vector<8x2048xf32>
    %add3A_510 = arith.addf %add3A_493, %add3A_509 : vector<8x2048xf32>
    %slice3A_511 = vector.extract_strided_slice %get3A_4 {offsets = [240, 0], sizes = [8, 2048], strides = [1, 1]} : vector<256x2048xf32> to vector<8x2048xf32>
    %slice3A_512 = vector.extract_strided_slice %get3A_1 {offsets = [240, 0], sizes = [8, 2048], strides = [1, 1]} : vector<256x2048xf32> to vector<8x2048xf32>
    %sub3A_513 = arith.subf %slice3A_511, %slice3A_512 : vector<8x2048xf32>
    %mul3A_514 = arith.mulf %sub3A_513, %sub3A_513 : vector<8x2048xf32>
    %slice3A_515 = vector.extract_strided_slice %mul3A_514 {offsets = [4, 0], sizes = [4, 2048], strides = [1, 1]} : vector<8x2048xf32> to vector<4x2048xf32>
    %slice3A_516 = vector.extract_strided_slice %mul3A_514 {offsets = [0, 0], sizes = [4, 2048], strides = [1, 1]} : vector<8x2048xf32> to vector<4x2048xf32>
    %concatenate3A_517 = tpu.concatenate %slice3A_515, %slice3A_516 in 0 : vector<4x2048xf32>, vector<4x2048xf32> -> vector<8x2048xf32>
    %add3A_518 = arith.addf %mul3A_514, %concatenate3A_517 : vector<8x2048xf32>
    %slice3A_519 = vector.extract_strided_slice %add3A_518 {offsets = [6, 0], sizes = [2, 2048], strides = [1, 1]} : vector<8x2048xf32> to vector<2x2048xf32>
    %slice3A_520 = vector.extract_strided_slice %add3A_518 {offsets = [0, 0], sizes = [6, 2048], strides = [1, 1]} : vector<8x2048xf32> to vector<6x2048xf32>
    %concatenate3A_521 = tpu.concatenate %slice3A_519, %slice3A_520 in 0 : vector<2x2048xf32>, vector<6x2048xf32> -> vector<8x2048xf32>
    %add3A_522 = arith.addf %add3A_518, %concatenate3A_521 : vector<8x2048xf32>
    %slice3A_523 = vector.extract_strided_slice %add3A_522 {offsets = [7, 0], sizes = [1, 2048], strides = [1, 1]} : vector<8x2048xf32> to vector<1x2048xf32>
    %slice3A_524 = vector.extract_strided_slice %add3A_522 {offsets = [0, 0], sizes = [7, 2048], strides = [1, 1]} : vector<8x2048xf32> to vector<7x2048xf32>
    %concatenate3A_525 = tpu.concatenate %slice3A_523, %slice3A_524 in 0 : vector<1x2048xf32>, vector<7x2048xf32> -> vector<8x2048xf32>
    %add3A_526 = arith.addf %add3A_522, %concatenate3A_525 : vector<8x2048xf32>
    %add3A_527 = arith.addf %add3A_510, %add3A_526 : vector<8x2048xf32>
    %slice3A_528 = vector.extract_strided_slice %get3A_4 {offsets = [248, 0], sizes = [8, 2048], strides = [1, 1]} : vector<256x2048xf32> to vector<8x2048xf32>
    %slice3A_529 = vector.extract_strided_slice %get3A_1 {offsets = [248, 0], sizes = [8, 2048], strides = [1, 1]} : vector<256x2048xf32> to vector<8x2048xf32>
    %sub3A_530 = arith.subf %slice3A_528, %slice3A_529 : vector<8x2048xf32>
    %mul3A_531 = arith.mulf %sub3A_530, %sub3A_530 : vector<8x2048xf32>
    %slice3A_532 = vector.extract_strided_slice %mul3A_531 {offsets = [4, 0], sizes = [4, 2048], strides = [1, 1]} : vector<8x2048xf32> to vector<4x2048xf32>
    %slice3A_533 = vector.extract_strided_slice %mul3A_531 {offsets = [0, 0], sizes = [4, 2048], strides = [1, 1]} : vector<8x2048xf32> to vector<4x2048xf32>
    %concatenate3A_534 = tpu.concatenate %slice3A_532, %slice3A_533 in 0 : vector<4x2048xf32>, vector<4x2048xf32> -> vector<8x2048xf32>
    %add3A_535 = arith.addf %mul3A_531, %concatenate3A_534 : vector<8x2048xf32>
    %slice3A_536 = vector.extract_strided_slice %add3A_535 {offsets = [6, 0], sizes = [2, 2048], strides = [1, 1]} : vector<8x2048xf32> to vector<2x2048xf32>
    %slice3A_537 = vector.extract_strided_slice %add3A_535 {offsets = [0, 0], sizes = [6, 2048], strides = [1, 1]} : vector<8x2048xf32> to vector<6x2048xf32>
    %concatenate3A_538 = tpu.concatenate %slice3A_536, %slice3A_537 in 0 : vector<2x2048xf32>, vector<6x2048xf32> -> vector<8x2048xf32>
    %add3A_539 = arith.addf %add3A_535, %concatenate3A_538 : vector<8x2048xf32>
    %slice3A_540 = vector.extract_strided_slice %add3A_539 {offsets = [7, 0], sizes = [1, 2048], strides = [1, 1]} : vector<8x2048xf32> to vector<1x2048xf32>
    %slice3A_541 = vector.extract_strided_slice %add3A_539 {offsets = [0, 0], sizes = [7, 2048], strides = [1, 1]} : vector<8x2048xf32> to vector<7x2048xf32>
    %concatenate3A_542 = tpu.concatenate %slice3A_540, %slice3A_541 in 0 : vector<1x2048xf32>, vector<7x2048xf32> -> vector<8x2048xf32>
    %add3A_543 = arith.addf %add3A_539, %concatenate3A_542 : vector<8x2048xf32>
    %add3A_544 = arith.addf %add3A_527, %add3A_543 : vector<8x2048xf32>
    %slice3A_545 = vector.extract_strided_slice %add3A_544 {offsets = [0, 0], sizes = [1, 2048], strides = [1, 1]} : vector<8x2048xf32> to vector<1x2048xf32>
    %swap3A = arith.index_cast %arg0 : i32 to index
    %swap3A_546 = arith.constant 0 : index
    %swap3A_547 = vector.load %arg6[%swap3A, %swap3A_546] : memref<8x2048xf32, #tpu.memory_space<vmem>>, vector<1x2048xf32>
    tpu.vector_store %arg6[%swap3A, %swap3A_546], %slice3A_545 {strides = array<i32>} : memref<8x2048xf32, #tpu.memory_space<vmem>>, vector<1x2048xf32>,
    %eq3A = arith.constant 7 : i32
    %eq3A_548 = arith.cmpi eq, %arg0, %eq3A : i32
    %convert_element_type3A = arith.extui %eq3A_548 : i1 to i32
    %cond3A = arith.constant 0 : i32
    %cond3A_549 = arith.cmpi ne, %convert_element_type3A, %cond3A : i32
    scf.if %cond3A_549 {
      %get3A_550 = arith.constant 0 : index
      %get3A_551 = arith.constant 0 : index
      %get3A_552 = vector.load %arg6[%get3A_550, %get3A_551] : memref<8x2048xf32, #tpu.memory_space<vmem>>, vector<8x2048xf32>
      %reduce_min3A = arith.constant dense<0x7F800000> : vector<2048xf32>
      %reduce_min3A_553 = vector.multi_reduction <minimumf>, %get3A_552, %reduce_min3A [0] : vector<8x2048xf32> to vector<2048xf32>
      %broadcast_in_dim3A_554 = vector.shape_cast %reduce_min3A_553 : vector<2048xf32> to vector<1x2048xf32>
      %eq3A_555 = vector.broadcast %broadcast_in_dim3A_554 : vector<1x2048xf32> to vector<8x2048xf32>
      %eq3A_556 = arith.cmpf oeq, %get3A_552, %eq3A_555 : vector<8x2048xf32>
      %get3A_557 = arith.constant 0 : index
      %get3A_558 = arith.constant 0 : index
      %get3A_559 = vector.load %arg3[%get3A_557, %get3A_558] : memref<8x2048xi32, #tpu.memory_space<vmem>>, vector<8x2048xi32>
      %jit3A = arith.constant 1024 : i32
      %broadcast_in_dim3A_560 = vector.broadcast %jit3A : i32 to vector<8x2048xi32>
      %select_n3A = arith.select %eq3A_556, %get3A_559, %broadcast_in_dim3A_560 : vector<8x2048xi1>, vector<8x2048xi32>
      %reduce_min3A_561 = arith.constant dense<2147483647> : vector<2048xi32>
      %reduce_min3A_562 = vector.multi_reduction <minsi>, %select_n3A, %reduce_min3A_561 [0] : vector<8x2048xi32> to vector<2048xi32>
      %swap3A_563 = arith.constant 0 : index
      %swap3A_564 = vector.load %arg4[%swap3A_563] : memref<2048xi32, #tpu.memory_space<vmem>>, vector<2048xi32>
      tpu.vector_store %arg4[%swap3A_563], %reduce_min3A_562 {strides = array<i32>} : memref<2048xi32, #tpu.memory_space<vmem>>, vector<2048xi32>,
      %reduce_sum3A = vector.shape_cast %reduce_min3A_553 : vector<2048xf32> to vector<1x2048xf32>
      %reduce_sum3A_565 = arith.constant dense<0.000000e+00> : vector<1xf32>
      %reduce_sum3A_566 = vector.multi_reduction <add>, %reduce_sum3A, %reduce_sum3A_565 [1] : vector<1x2048xf32> to vector<1xf32>
      %reduce_sum3A_567 = vector.shape_cast %reduce_sum3A_566 : vector<1xf32> to vector<1x1xf32>
      %reduce_sum3A_568 = vector.extract %reduce_sum3A_567[0, 0] : f32 from vector<1x1xf32>
      %mul3A_569 = arith.constant 9.27734363E-4 : f32
      %mul3A_570 = arith.mulf %reduce_sum3A_568, %mul3A_569 : f32
      %swap3A_571 = arith.constant 0 : index
      %swap3A_572 = arith.constant 0 : index
      %swap3A_573 = memref.load %arg5[%swap3A_571, %swap3A_572] : memref<1x1xf32, #tpu.memory_space<smem>>
      memref.store %mul3A_570, %arg5[%swap3A_571, %swap3A_572] : memref<1x1xf32, #tpu.memory_space<smem>>
    } else {
    }
    return
  }
  func.func @transform_0(%arg0: i32) -> (i32, i32) {
    %c0_i32 = arith.constant 0 : i32
    %c0_i32_0 = arith.constant 0 : i32
    %c0_i32_1 = arith.constant 0 : i32
    return %c0_i32, %c0_i32_0 : i32, i32
  }
  func.func @transform_1(%arg0: i32) -> (i32, i32) {
    %c0_i32 = arith.constant 0 : i32
    %c0_i32_0 = arith.constant 0 : i32
    return %c0_i32, %arg0 : i32, i32
  }
  func.func @transform_2(%arg0: i32) -> (i32, i32) {
    %c0_i32 = arith.constant 0 : i32
    %c0_i32_0 = arith.constant 0 : i32
    %c0_i32_1 = arith.constant 0 : i32
    return %c0_i32, %c0_i32_0 : i32, i32
  }
  func.func @transform_3(%arg0: i32) -> i32 {
    %c0_i32 = arith.constant 0 : i32
    %c0_i32_0 = arith.constant 0 : i32
    return %c0_i32 : i32
  }
  func.func @transform_4(%arg0: i32) -> (i32, i32) {
    %c0_i32 = arith.constant 0 : i32
    %c0_i32_0 = arith.constant 0 : i32
    %c0_i32_1 = arith.constant 0 : i32
    return %c0_i32, %c0_i32_0 : i32, i32
  }
}

</mosaic_0001>

<sc_bundles>
// kernel: kernel.6.cloned.1.call-start
scs
__scs_entry_jumppad:
0x0: {  	(pc) =	sbr.rel $0x88, $3  }
0x1: {  	(tag) =	ssettag $0x0;
	lr =	simm.s32 $0x1  }
0x2: {  	[smem:$0x3F9F] =	sst lr;
	_ =	strace $0xD0000000  }
0x3: {  	_ = 	snop  }
0x4: {  	_ = 	snop  }
0x5: {  	_ = 	snop  }
0x6: {  	_ = 	snop  }
0x7: {  	_ = 	snop  }
__scs_overlays_trampoline_lowered:
0x8: {  	[smem:$0x3FAE] =	sst s0  }
0x9: {  	[smem:$0x3FAF] =	sst s1  }
0xa: {  	[smem:$0x3FB0] =	sst s2  }
0xb: {  	[smem:$0x3FB1] =	sst s3  }
0xc: {  	[smem:$0x3FB2] =	sst s4  }
0xd: {  	[smem:$0x3FB3] =	sst s5  }
0xe: {  	[smem:$0x3FB4] =	sst s6  }
0xf: {  	[smem:$0x3FB5] =	sst s7  }
0x10: {  	[smem:$0x3FB6] =	sst s8  }
0x11: {  	[smem:$0x3FB7] =	sst s9;
	s0 =	simm.s32 @!p0 $0x0  }
0x12: {  	s1 =	sld [smem:$0x3F9D];
	s0 =	simm.s32 @p0 $0x1  }
0x13: {  	[smem:$0x3FB8] =	sst s0;
	s0 =	simm.s32 @!p1 $0x0  }
0x14: {  	s2 =	sld [smem:$0x3F9C];
	s0 =	simm.s32 @p1 $0x1  }
0x15: {  	[smem:$0x3FB9] =	sst s0;
	s0 =	simm.s32 @!p2 $0x0  }
0x16: {  	s3 =	sld [smem:$0x3FDB];
	s0 =	simm.s32 @p2 $0x1  }
0x17: {  	s4 =	simm.s32 $0x1BF5;
	[smem:$0x3FBB] =	sst s0  }
0x18: {  	s0 =	sld [smem:$0x3F9E];
	_ =	swait.ge [sflag:s4], $0x0  }
0x19: {  	s7 =	sld [smem:$0x3F9F]  }
0x1a: {  	s8 =	sadd.s32 $0xFFFFE003, lr  }
0x1b: {  	s9 =	sadd.s32 $0xFFFFFEF7, lr;
	s5 =	simm.s32 $0xFFFFFFFF;
	p2 =	slt.u32 s8, $0xFFFFF086  }
0x1c: {  	p1 =	slt.u32 s9, $0xF7A;
	s5 =	simm.s32 @!p2 $0x0  }
0x1d: {  	s5 =	simm.s32 @p1 $0x1;
	p0 =	seq.s32 s7, s2  }
0x1e: {  	s7 =	smul.u32 @!p0 $0xF7A, s2;
	p2 =	seq.s32 @!p0 s5, $0x0  }
0x1f: {  	s9 =	smul.u32 $0xF7A, s1;
	s8 =	simm.s32 @!p0 $0x1BF5;
	p2 =	por !p2, p0  }
0x20: {  	[sflag:s8] =	ssyncset.s32 @!p0 $0xFFFFF086;
	s6 =	sadd.s32 @!p0 s3, s7;
	s7 =	simm.s32 @!p0 $0x108  }
0x21: {  	s3 =	sadd.s32 s3, s9;
	s6 =	sadd.s32 @!p0 $0x88, s6;
	s7 =	simm.s32 @p2 $0x1082  }
0x22: {  	[simem:s7], [sflag:s8] =	dma.local @!p0 [hbm:s6], $0xF7A  }
0x23: {  	s9 =	sor.u32 $0xD0000000, s2;
	s6 =	simm.s32 $0x108;
	_ =	swait.ge @!p0 [sflag:s8], $0x0  }
0x24: {  	s3 =	sadd.s32 $0x88, s3;
	s6 =	simm.s32 @!p1 $0x1082;
	[sflag:s4] =	ssyncset.s32 $0xFFFFF086  }
0x25: {  	[simem:s6], [sflag:s4] =	dma.local [hbm:s3], $0xF7A  }
0x26: {  	[smem:$0x3F9F] =	sst s1;
	(tag) =	ssettag s2;
	_ =	strace s9  }
0x27: {  	s1 =	sld [smem:$0x3FAF]  }
0x28: {  	s2 =	sld [smem:$0x3FB0]  }
0x29: {  	s4 =	sld [smem:$0x3FB2]  }
0x2a: {  	p0 =	seq.s32 s5, $0x0;
	s5 =	sld [smem:$0x3FB3]  }
0x2b: {  	s6 =	sld [smem:$0x3FB4]  }
0x2c: {  	s7 =	sld [smem:$0x3FB5]  }
0x2d: {  	s3 =	simm.s32 $0x108;
	s8 =	sld [smem:$0x3FB6]  }
0x2e: {  	s3 =	simm.s32 @!p0 $0x1082;
	s9 =	sld [smem:$0x3FB7]  }
0x2f: {  	lr =	sadd.s32 s0, s3;
	s0 =	sld [smem:$0x3FAE]  }
0x30: {  	s3 =	sld [smem:$0x3FB1]  }
0x31: {  	[smem:$0x3FBA] =	sst s10  }
0x32: {  	s10 =	sld [smem:$0x3FB8];
	_ =	sdelay $0x3  }
0x33: {  	p0 =	seq.s32 s10, $0x1;
	s10 =	sld [smem:$0x3FBA];
	_ =	sdelay $0x3  }
0x34: {  	[smem:$0x3FBA] =	sst s10  }
0x35: {  	s10 =	sld [smem:$0x3FB9];
	_ =	sdelay $0x3  }
0x36: {  	p1 =	seq.s32 s10, $0x1;
	s10 =	sld [smem:$0x3FBA];
	_ =	sdelay $0x3  }
0x37: {  	[smem:$0x3FBA] =	sst s10  }
0x38: {  	s10 =	sld [smem:$0x3FBB]  }
0x39: {  	_ = 	snop;
	(pc) =	sbr.ind lr, $3  }
0x3a: {  	_ = 	snop  }
0x3b: {  	_ = 	snop  }
0x3c: {  	p2 =	seq.s32 s10, $0x1;
	s10 =	sld [smem:$0x3FBA]  }
0x3d: {  	_ =	shalt  }
0x3e: {  	_ =	shalt  }
0x3f: {  	_ =	shalt  }
0x40: {  	_ =	shalt  }
0x41: {  	_ =	shalt  }
0x42: {  	_ =	shalt  }
0x43: {  	_ =	shalt  }
0x44: {  	_ =	shalt  }
0x45: {  	_ =	shalt  }
0x46: {  	_ =	shalt  }
0x47: {  	_ =	shalt  }
0x48: {  	_ =	shalt  }
0x49: {  	_ =	shalt  }
0x4a: {  	_ =	shalt  }
0x4b: {  	_ =	shalt  }
0x4c: {  	_ =	shalt  }
0x4d: {  	_ =	shalt  }
0x4e: {  	_ =	shalt  }
0x4f: {  	_ =	shalt  }
0x50: {  	_ =	shalt  }
0x51: {  	_ =	shalt  }
0x52: {  	_ =	shalt  }
0x53: {  	_ =	shalt  }
0x54: {  	_ =	shalt  }
0x55: {  	_ =	shalt  }
0x56: {  	_ =	shalt  }
0x57: {  	_ =	shalt  }
0x58: {  	_ =	shalt  }
0x59: {  	_ =	shalt  }
0x5a: {  	_ =	shalt  }
0x5b: {  	_ =	shalt  }
0x5c: {  	_ =	shalt  }
0x5d: {  	_ =	shalt  }
0x5e: {  	_ =	shalt  }
0x5f: {  	_ =	shalt  }
0x60: {  	_ =	shalt  }
0x61: {  	_ =	shalt  }
0x62: {  	_ =	shalt  }
0x63: {  	_ =	shalt  }
0x64: {  	_ =	shalt  }
0x65: {  	_ =	shalt  }
0x66: {  	_ =	shalt  }
0x67: {  	_ =	shalt  }
0x68: {  	_ =	shalt  }
0x69: {  	_ =	shalt  }
0x6a: {  	_ =	shalt  }
0x6b: {  	_ =	shalt  }
0x6c: {  	_ =	shalt  }
0x6d: {  	_ =	shalt  }
0x6e: {  	_ =	shalt  }
0x6f: {  	_ =	shalt  }
0x70: {  	_ =	shalt  }
0x71: {  	_ =	shalt  }
0x72: {  	_ =	shalt  }
0x73: {  	_ =	shalt  }
0x74: {  	_ =	shalt  }
0x75: {  	_ =	shalt  }
0x76: {  	_ =	shalt  }
0x77: {  	_ =	shalt  }
0x78: {  	_ =	shalt  }
0x79: {  	_ =	shalt  }
0x7a: {  	_ =	shalt  }
0x7b: {  	_ =	shalt  }
0x7c: {  	_ =	shalt  }
0x7d: {  	_ =	shalt  }
0x7e: {  	_ =	shalt  }
0x7f: {  	_ =	shalt  }
0x80: {  	_ =	shalt  }
0x81: {  	_ =	shalt  }
0x82: {  	_ =	shalt  }
0x83: {  	_ =	shalt  }
0x84: {  	_ =	shalt  }
0x85: {  	_ =	shalt  }
0x86: {  	_ =	shalt  }
0x87: {  	_ =	shalt  }
.Lfunc_end0:
.L_simem_size_0:
called_computation_lowered:
.L_overlay_start_0:
0x88: {  	s2 =	sld [smem:$0x3FD9]  }
0x89: {  	s3 =	sld [smem:$0x3FFE];
	_ =	sdelay $0x1  }
0x8a: {  	s1 =	srdreg.scid  }
0x8b: {  	s0 =	sand.u32 $0x1, s1  }
0x8c: {  	s14 =	sshll.u32 s0, $0xA;
	s2 =	sadd.s32 s3, s2  }
0x8d: {  	s2 =	sadd.s32 s2, s14  }
0x8e: {  	[smem:$0x3FC6] =	sst s2  }
0x8f: {  	_ = 	snop  }
0x90: {  	s2 =	sld [smem:$0x3FD0];
	_ =	sdelay $0x2  }
0x91: {  	s4 =	simm.s32 $0xA;
	s5 =	simm.s32 $0x10;
	s15 =	sld [smem:$0x3FC8]  }
0x92: {  	[smem:s5], [sflag:s4] =	dma.local [hbm:s2], $0x1  }
0x93: {  	_ =	swait.eq [sflag:s4], $0x1  }
0x94: {  	[sflag:s4] =	ssyncset.done $0x0  }
0x95: {  	[sflag:s4] =	ssyncadd.s32 $0xFFFFFFFF  }
0x96: {  	s16 =	sld [smem:$0x10];
	(tm) =	ssettm $0x1  }
0x97: {  	s17 =	sld [smem:$0x3FFB];
	_ =	sdelay $0x3  }
0x98: {  	_ =	strace s17  }
0x99: {  	s4 =	sld [smem:$0x3FFC];
	_ =	sdelay $0x3  }
0x9a: {  	_ =	strace s4  }
0x9b: {  	s4 =	sld [smem:$0x3FFD];
	_ =	sdelay $0x3  }
0x9c: {  	_ =	strace s4  }
0x9d: {  	_ =	strace $0x8FFFFFFF  }
0x9e: {  	s18 =	sld [smem:$0x3FDB];
	_ =	sdelay $0x1  }
0x9f: {  	s19 =	simm.s32 $_scs_section_size  }
0xa0: {  	s6 =	simm.s32 $_size__tile_overlayer_lowered;
	s7 =	simm.s32 $_tile_overlayer_lowered  }
0xa1: {  	s22 =	simm.s32 $0x1BFF;
	s21 =	sshll.u32 s7, $0x1;
	s4 =	sadd.s32 s19, s18  }
0xa2: {  	s8 =	simm.s32 $0x0;
	s20 =	sshll.u32 s6, $0x1;
	s6 =	sadd.s32 s21, s4  }
0xa3: {  	[timem:s8], [sflag:s22] =	dma.local [hbm:s6], s20  }
0xa4: {  	_ =	swait.ge [sflag:s22], s20  }
0xa5: {  	s5 =	ssub.s32 $0x0, s20;
	[sflag:s22] =	ssyncset.done $0x0  }
0xa6: {  	[sflag:s22] =	ssyncadd.s32 s5;
	_ =	sdelay $0x1  }
0xa7: {  	s23 =	simm.s32 $0x1B8B  }
0xa8: {  	_ =	swait.ge [sflag:s23], $0x1  }
0xa9: {  	[sflag:s23] =	ssyncset.done $0x0  }
0xaa: {  	s25 =	simm.s32 $0x1B8E;
	s24 =	sld [smem:$0x3FFE];
	[sflag:s23] =	ssyncadd.s32 $0xFFFFFFFF  }
0xab: {  	s26 =	simm.s32 $execute0_lowered;
	[smem:$0x3FD2] =	sst s25  }
0xac: {  	s6 =	sshll.u32 s26, $0x1;
	_ =	strace $0x80000046;
	[dreg:$0x1] =	wrdreg $0xFFFFFFFF  }
0xad: {  	s28 =	simm.s32 $_size_execute0_lowered;
	s4 =	sadd.s32 s4, s6;
	[dreg:$0x0] =	wrdreg $0x0  }
0xae: {  	s6 =	sshll.u32 s28, $0x1;
	[dreg:$0x2] =	wrdreg s4  }
0xaf: {  	[dreg:$0x3] =	wrdreg s6  }
0xb0: {  	[dreg:$0x4] =	wrdreg $0xC0  }
0xb1: {  	_ =	task [dreg:s8], $0x5FFFF  }
0xb2: {  	[dreg:$0x1] =	wrdreg $0xFFFFFFFF  }
0xb3: {  	[dreg:$0x0] =	wrdreg $0x60  }
0xb4: {  	[dreg:$0x2] =	wrdreg s15  }
0xb5: {  	[dreg:$0x3] =	wrdreg s16  }
0xb6: {  	[dreg:$0x4] =	wrdreg s24  }
0xb7: {  	[dreg:$0x5] =	wrdreg $0x9  }
0xb8: {  	_ =	task.clear_ibuf [dreg:s8], $0x6FFFF;
	_ =	strace $0x90000046  }
0xb9: {  	s29 =	simm.s32 $0x9;
	_ =	strace $0x80000048  }
0xba: {  	_ =	swait.ge [sflag:s29], $0x1  }
0xbb: {  	[sflag:s29] =	ssyncadd.s32 $0xFFFFFFFF  }
0xbc: {  	_ =	strace $0x90000048  }
0xbd: {  	_ =	sfence  }
0xbe: {  	s30 =	sld [smem:$0x0];
	_ =	sdelay $0x2  }
0xbf: {  	s31 =	sshll.u32 s1, $0xD;
	s1 =	sshrl.u32 s1, $0x2  }
0xc0: {  	s3 =	sand.u32 $0x4000, s31;
	s1 =	sadd.s32 s1, s30  }
0xc1: {  	s0 =	sor.u32 s3, s0;
	s1 =	sshll.u32 s1, $0x11  }
0xc2: {  	s0 =	sor.u32 s1, s0  }
0xc3: {  	s0 =	sadd.s32 $0x8F2B, s0  }
0xc4: {  	[sflag:s0] =	ssyncadd.remote.s32 $0x1  }
0xc5: {  	_ =	sfence.sel $0xFFFF  }
0xc6: {  	[dreg:$0x0] =	wrdreg $0xFFFFFFFF;
	(pc) =	sbr.abs _section_cstart, $3  }
0xc7: {  	[dreg:$0x1] =	wrdreg $0xFFFFFFFF  }
0xc8: {  	_ =	task.clear_ibuf [dreg:s8], $0x2FFFF;
	_ =	strace $0x9FFFFFFF  }
0xc9: {  	(tm) =	ssettm $0x7FFFFFFF  }
tec
execute0_lowered:
.L_overlay_start_1:
0x0: {  	(tag) =	ssettag $0x1  }
0x1: {  	s1 =	rddreg [dreg:$0x0]  }
0x2: {  	s0 =	srdreg.scid;
	s2 =	rddreg [dreg:$0x1]  }
0x3: {  	s3 =	stileid.u32;
	s4 =	rddreg [dreg:$0x2];
	s13 =	simm.s32 $0x2  }
0x4: {  	s14 =	simm.s32 $0x3;
	s15 =	simm.s32 $0x4;
	s17 =	simm.s32 $0xA00  }
0x5: {  	s18 =	simm.s32 $0x1200;
	s19 =	simm.s32 $0x1A00;
	s20 =	simm.s32 $0x2200  }
0x6: {  	s21 =	simm.s32 $0x2A00;
	s28 =	simm.s32 $0x4A00;
	s29 =	simm.s32 $0x5200  }
0x7: {  	s30 =	simm.s32 $0x5A00;
	s31 =	simm.s32 $0x6200;
	s7 =	simm.s32 $0x7A00  }
0x8: {  	s8 =	simm.s32 $0x8A00;
	s9 =	simm.s32 $0x9200;
	s10 =	simm.s32 $0x9A00  }
0x9: {  	s11 =	simm.s32 $0xA200;
	s12 =	simm.s32 $0xAA00;
	s0 =	sand.u32 $0x1, s0  }
0xa: {  	s5 =	sshll.u32 s3, $0xA;
	s3 =	simm.s32 $0x0;
	s6 =	sshll.u32 s0, $0x9  }
0xb: {  	[smem:$0x7FF] =	sst s3;
	s0 =	ssub.s32 $0x2, s0;
	s5 =	sor.u32 s6, s5  }
0xc: {  	_ =	strace $0x80000047;
	s6 =	sshll.u32 s5, $0x5;
	s5 =	sshrl.u32 s5, $0x3  }
0xd: {  	s24 =	sshrl.u32 s0, $0x1;
	s4 =	sadd.s32 s6, s4;
	s2 =	sadd.s32 s2, s5  }
0xe: {  	s0 =	ssub.s32 s0, s24;
	[dreg:$0x4] =	wrdreg s2;
	s22 =	sadd.s32 $0xE00, s4  }
0xf: {  	s24 =	simm.s32 $0x3200;
	s23 =	sadd.s32 $0x1E00, s4;
	[dreg:$0x5] =	wrdreg s22  }
0x10: {  	s5 =	simm.s32 $0x7200;
	s25 =	sadd.s32 $0x2E00, s4;
	[dreg:$0x6] =	wrdreg s23  }
0x11: {  	v2 =	vlaneseq.u32;
	s26 =	sadd.s32 $0x3E00, s4;
	s4 =	smax.u32 s0, $0x1;
	[dreg:$0x7] =	wrdreg s25  }
0x12: {  	vm0 =	vmmov $0xffff;
	v1 =	vshrl.u32 v2, $0x3;
	s2 =	simm.s32 $0x6A00;
	[dreg:$0x8] =	wrdreg s26;
	s23 =	simm.s32 $0x200  }
0x13: {  	v0 =	vand.u32 $0x7, v2;
	v2 =	vor.u32 $0x8, v2;
	v1 =	vmul.u32 $0x8, v1;
	s25 =	simm.s32 $0x3A00;
	s26 =	simm.s32 $0x4200;
	s22 =	simm.s32 $0x8200  }
.LBB2_1:
0x14: {  	s16 =	rddreg [dreg:$0x4];
	s0 =	simm.s32 $0x5  }
0x15: {  	[tilespmem:s3], [sflag:$0x5] =	stream.linear.gather [hbm4b:s16+s3], $0x200, $0x38;
	[tilespmem:$0x10200] =	vst v63  }
0x16: {  	_ =	swait.ge [sflag:s0], $0x200  }
0x17: {  	[sflag:s0] =	ssyncset.done $0x0  }
0x18: {  	[sflag:s0] =	ssyncadd.s32 $0xFFFFFE00  }
0x19: {  	v3 =	vld [tilespmem:$0x0];
	_ =	sdelay $0x4  }
0x1a: {  	v4 =	vshll.u32 v3, $0x1  }
0x1b: {  	v3 =	vand.u32 $0x7, v3;
	v4 =	vand.u32 $0xFFFFFFF0, v4  }
0x1c: {  	v3 =	vor.u32 v3, v4  }
0x1d: {  	v4 =	vperm.xlane v3, v0;
	_ =	sdelay $0x1  }
0x1e: {  	v3 =	vperm.xlane v3, v2;
	v4 =	vadd.s32 v1, v4;
	_ =	sdelay $0x1  }
0x1f: {  	v3 =	vadd.s32 v1, v3;
	_ =	sdelay $0x2  }
0x20: {  	[tilespmem:s23], [sflag:$0x1] =	stream.indirect_vreg.gather [hbm4b:s1+s3], $0x80, v4, vm0, $0xb8;
	[tilespmem:$0x10200] =	vst v63  }
0x21: {  	_ = 	snop  }
0x22: {  	[tilespmem:s17], [sflag:$0x1] =	stream.indirect_vreg.gather [hbm4b:s1+s3], $0x80, v3, vm0, $0xb8;
	[tilespmem:$0x10200] =	vst v63  }
0x23: {  	v3 =	vld [tilespmem:$0x10];
	_ =	sdelay $0x4  }
0x24: {  	v33 =	vshll.u32 v3, $0x1  }
0x25: {  	v3 =	vand.u32 $0x7, v3;
	v4 =	vand.u32 $0xFFFFFFF0, v33  }
0x26: {  	v3 =	vor.u32 v3, v4  }
0x27: {  	v4 =	vperm.xlane v3, v0;
	_ =	sdelay $0x1  }
0x28: {  	v3 =	vperm.xlane v3, v2;
	v4 =	vadd.s32 v1, v4;
	_ =	sdelay $0x1  }
0x29: {  	v3 =	vadd.s32 v1, v3;
	_ =	sdelay $0x2  }
0x2a: {  	[tilespmem:s18], [sflag:$0x1] =	stream.indirect_vreg.gather [hbm4b:s1+s3], $0x80, v4, vm0, $0xb8;
	[tilespmem:$0x10200] =	vst v63  }
0x2b: {  	_ = 	snop  }
0x2c: {  	[tilespmem:s19], [sflag:$0x1] =	stream.indirect_vreg.gather [hbm4b:s1+s3], $0x80, v3, vm0, $0xb8;
	[tilespmem:$0x10200] =	vst v63  }
0x2d: {  	v3 =	vld [tilespmem:$0x20];
	_ =	sdelay $0x4  }
0x2e: {  	v34 =	vshll.u32 v3, $0x1  }
0x2f: {  	v3 =	vand.u32 $0x7, v3;
	v4 =	vand.u32 $0xFFFFFFF0, v34  }
0x30: {  	v3 =	vor.u32 v3, v4  }
0x31: {  	v4 =	vperm.xlane v3, v0;
	_ =	sdelay $0x1  }
0x32: {  	v3 =	vperm.xlane v3, v2;
	v4 =	vadd.s32 v1, v4;
	_ =	sdelay $0x1  }
0x33: {  	v3 =	vadd.s32 v1, v3;
	_ =	sdelay $0x2  }
0x34: {  	[tilespmem:s20], [sflag:$0x1] =	stream.indirect_vreg.gather [hbm4b:s1+s3], $0x80, v4, vm0, $0xb8;
	[tilespmem:$0x10200] =	vst v63  }
0x35: {  	_ = 	snop  }
0x36: {  	[tilespmem:s21], [sflag:$0x1] =	stream.indirect_vreg.gather [hbm4b:s1+s3], $0x80, v3, vm0, $0xb8;
	[tilespmem:$0x10200] =	vst v63  }
0x37: {  	v3 =	vld [tilespmem:$0x30];
	_ =	sdelay $0x4  }
0x38: {  	v35 =	vshll.u32 v3, $0x1  }
0x39: {  	v3 =	vand.u32 $0x7, v3;
	v4 =	vand.u32 $0xFFFFFFF0, v35  }
0x3a: {  	v3 =	vor.u32 v3, v4  }
0x3b: {  	v4 =	vperm.xlane v3, v0;
	_ =	sdelay $0x1  }
0x3c: {  	v3 =	vperm.xlane v3, v2;
	v4 =	vadd.s32 v1, v4;
	_ =	sdelay $0x1  }
0x3d: {  	v3 =	vadd.s32 v1, v3;
	_ =	sdelay $0x2  }
0x3e: {  	[tilespmem:s24], [sflag:$0x1] =	stream.indirect_vreg.gather [hbm4b:s1+s3], $0x80, v4, vm0, $0xb8;
	[tilespmem:$0x10200] =	vst v63  }
0x3f: {  	_ = 	snop  }
0x40: {  	[tilespmem:s25], [sflag:$0x1] =	stream.indirect_vreg.gather [hbm4b:s1+s3], $0x80, v3, vm0, $0xb8;
	[tilespmem:$0x10200] =	vst v63  }
0x41: {  	v3 =	vld [tilespmem:$0x40];
	_ =	sdelay $0x4  }
0x42: {  	v36 =	vshll.u32 v3, $0x1  }
0x43: {  	v3 =	vand.u32 $0x7, v3;
	v4 =	vand.u32 $0xFFFFFFF0, v36  }
0x44: {  	v3 =	vor.u32 v3, v4  }
0x45: {  	v4 =	vperm.xlane v3, v0;
	_ =	sdelay $0x1  }
0x46: {  	v3 =	vperm.xlane v3, v2;
	v4 =	vadd.s32 v1, v4;
	_ =	sdelay $0x1  }
0x47: {  	v3 =	vadd.s32 v1, v3;
	_ =	sdelay $0x2  }
0x48: {  	[tilespmem:s26], [sflag:$0x1] =	stream.indirect_vreg.gather [hbm4b:s1+s3], $0x80, v4, vm0, $0xb8;
	[tilespmem:$0x10200] =	vst v63  }
0x49: {  	_ = 	snop  }
0x4a: {  	[tilespmem:s28], [sflag:$0x1] =	stream.indirect_vreg.gather [hbm4b:s1+s3], $0x80, v3, vm0, $0xb8;
	[tilespmem:$0x10200] =	vst v63  }
0x4b: {  	v3 =	vld [tilespmem:$0x50];
	_ =	sdelay $0x4  }
0x4c: {  	v37 =	vshll.u32 v3, $0x1  }
0x4d: {  	v3 =	vand.u32 $0x7, v3;
	v4 =	vand.u32 $0xFFFFFFF0, v37  }
0x4e: {  	v3 =	vor.u32 v3, v4  }
0x4f: {  	v4 =	vperm.xlane v3, v0;
	_ =	sdelay $0x1  }
0x50: {  	v3 =	vperm.xlane v3, v2;
	v4 =	vadd.s32 v1, v4;
	_ =	sdelay $0x1  }
0x51: {  	v3 =	vadd.s32 v1, v3;
	_ =	sdelay $0x2  }
0x52: {  	[tilespmem:s29], [sflag:$0x1] =	stream.indirect_vreg.gather [hbm4b:s1+s3], $0x80, v4, vm0, $0xb8;
	[tilespmem:$0x10200] =	vst v63  }
0x53: {  	_ = 	snop  }
0x54: {  	[tilespmem:s30], [sflag:$0x1] =	stream.indirect_vreg.gather [hbm4b:s1+s3], $0x80, v3, vm0, $0xb8;
	[tilespmem:$0x10200] =	vst v63  }
0x55: {  	v3 =	vld [tilespmem:$0x60];
	_ =	sdelay $0x4  }
0x56: {  	v38 =	vshll.u32 v3, $0x1  }
0x57: {  	v3 =	vand.u32 $0x7, v3;
	v4 =	vand.u32 $0xFFFFFFF0, v38  }
0x58: {  	v3 =	vor.u32 v3, v4  }
0x59: {  	v4 =	vperm.xlane v3, v0;
	_ =	sdelay $0x1  }
0x5a: {  	v3 =	vperm.xlane v3, v2;
	v4 =	vadd.s32 v1, v4;
	_ =	sdelay $0x1  }
0x5b: {  	v3 =	vadd.s32 v1, v3;
	_ =	sdelay $0x2  }
0x5c: {  	[tilespmem:s31], [sflag:$0x1] =	stream.indirect_vreg.gather [hbm4b:s1+s3], $0x80, v4, vm0, $0xb8;
	[tilespmem:$0x10200] =	vst v63  }
0x5d: {  	_ = 	snop  }
0x5e: {  	[tilespmem:s2], [sflag:$0x1] =	stream.indirect_vreg.gather [hbm4b:s1+s3], $0x80, v3, vm0, $0xb8;
	[tilespmem:$0x10200] =	vst v63  }
0x5f: {  	v3 =	vld [tilespmem:$0x70];
	_ =	sdelay $0x4  }
0x60: {  	v39 =	vshll.u32 v3, $0x1  }
0x61: {  	v3 =	vand.u32 $0x7, v3;
	v4 =	vand.u32 $0xFFFFFFF0, v39  }
0x62: {  	v3 =	vor.u32 v3, v4  }
0x63: {  	v4 =	vperm.xlane v3, v0;
	_ =	sdelay $0x1  }
0x64: {  	v3 =	vperm.xlane v3, v2;
	v4 =	vadd.s32 v1, v4;
	_ =	sdelay $0x1  }
0x65: {  	v3 =	vadd.s32 v1, v3;
	_ =	sdelay $0x2  }
0x66: {  	[tilespmem:s5], [sflag:$0x1] =	stream.indirect_vreg.gather [hbm4b:s1+s3], $0x80, v4, vm0, $0xb8;
	[tilespmem:$0x10200] =	vst v63  }
0x67: {  	s0 =	simm.s32 $0x1  }
0x68: {  	[tilespmem:s7], [sflag:$0x1] =	stream.indirect_vreg.gather [hbm4b:s1+s3], $0x80, v3, vm0, $0xb8;
	[tilespmem:$0x10200] =	vst v63  }
0x69: {  	_ =	swait.ge [sflag:s0], $0x8000  }
0x6a: {  	[sflag:s0] =	ssyncset.done $0x0  }
0x6b: {  	s6 =	rddreg [dreg:$0x5];
	[sflag:s0] =	ssyncadd.s32 $0xFFFF8000  }
0x6c: {  	[hbm4b:s6+s3] =	stream.linear.scatter [tilespmem:s23], [sflag:$0x3], $0x8000, $0x38;
	[tilespmem:$0x10200] =	vst v63  }
0x6d: {  	v3 =	vld [tilespmem:$0x80];
	_ =	sdelay $0x4  }
0x6e: {  	v40 =	vshll.u32 v3, $0x1  }
0x6f: {  	v3 =	vand.u32 $0x7, v3;
	v4 =	vand.u32 $0xFFFFFFF0, v40  }
0x70: {  	v3 =	vor.u32 v3, v4  }
0x71: {  	v4 =	vperm.xlane v3, v0;
	_ =	sdelay $0x1  }
0x72: {  	v3 =	vperm.xlane v3, v2;
	v4 =	vadd.s32 v1, v4;
	_ =	sdelay $0x1  }
0x73: {  	v3 =	vadd.s32 v1, v3;
	_ =	sdelay $0x2  }
0x74: {  	[tilespmem:s22], [sflag:$0x2] =	stream.indirect_vreg.gather [hbm4b:s1+s3], $0x80, v4, vm0, $0xb8;
	[tilespmem:$0x10200] =	vst v63  }
0x75: {  	_ = 	snop  }
0x76: {  	[tilespmem:s8], [sflag:$0x2] =	stream.indirect_vreg.gather [hbm4b:s1+s3], $0x80, v3, vm0, $0xb8;
	[tilespmem:$0x10200] =	vst v63  }
0x77: {  	v3 =	vld [tilespmem:$0x90];
	_ =	sdelay $0x4  }
0x78: {  	v41 =	vshll.u32 v3, $0x1  }
0x79: {  	v3 =	vand.u32 $0x7, v3;
	v4 =	vand.u32 $0xFFFFFFF0, v41  }
0x7a: {  	v3 =	vor.u32 v3, v4  }
0x7b: {  	v4 =	vperm.xlane v3, v0;
	_ =	sdelay $0x1  }
0x7c: {  	v3 =	vperm.xlane v3, v2;
	v4 =	vadd.s32 v1, v4;
	_ =	sdelay $0x1  }
0x7d: {  	v3 =	vadd.s32 v1, v3;
	_ =	sdelay $0x2  }
0x7e: {  	[tilespmem:s9], [sflag:$0x2] =	stream.indirect_vreg.gather [hbm4b:s1+s3], $0x80, v4, vm0, $0xb8;
	[tilespmem:$0x10200] =	vst v63  }
0x7f: {  	_ = 	snop  }
0x80: {  	[tilespmem:s10], [sflag:$0x2] =	stream.indirect_vreg.gather [hbm4b:s1+s3], $0x80, v3, vm0, $0xb8;
	[tilespmem:$0x10200] =	vst v63  }
0x81: {  	v3 =	vld [tilespmem:$0xA0];
	_ =	sdelay $0x4  }
0x82: {  	v42 =	vshll.u32 v3, $0x1  }
0x83: {  	v3 =	vand.u32 $0x7, v3;
	v4 =	vand.u32 $0xFFFFFFF0, v42  }
0x84: {  	v3 =	vor.u32 v3, v4  }
0x85: {  	v4 =	vperm.xlane v3, v0;
	_ =	sdelay $0x1  }
0x86: {  	v3 =	vperm.xlane v3, v2;
	v4 =	vadd.s32 v1, v4;
	_ =	sdelay $0x1  }
0x87: {  	v3 =	vadd.s32 v1, v3;
	_ =	sdelay $0x2  }
0x88: {  	[tilespmem:s11], [sflag:$0x2] =	stream.indirect_vreg.gather [hbm4b:s1+s3], $0x80, v4, vm0, $0xb8;
	[tilespmem:$0x10200] =	vst v63  }
0x89: {  	_ = 	snop  }
0x8a: {  	[tilespmem:s12], [sflag:$0x2] =	stream.indirect_vreg.gather [hbm4b:s1+s3], $0x80, v3, vm0, $0xb8;
	[tilespmem:$0x10200] =	vst v63  }
0x8b: {  	v3 =	vld [tilespmem:$0xB0];
	_ =	sdelay $0x4  }
0x8c: {  	v43 =	vshll.u32 v3, $0x1  }
0x8d: {  	v3 =	vand.u32 $0x7, v3;
	v4 =	vand.u32 $0xFFFFFFF0, v43  }
0x8e: {  	v3 =	vor.u32 v3, v4  }
0x8f: {  	v4 =	vperm.xlane v3, v0;
	_ =	sdelay $0x1  }
0x90: {  	v3 =	vperm.xlane v3, v2;
	v4 =	vadd.s32 v1, v4;
	_ =	sdelay $0x1  }
0x91: {  	v3 =	vadd.s32 v1, v3;
	_ =	sdelay $0x1  }
0x92: {  	s6 =	simm.s32 $0xB200  }
0x93: {  	[tilespmem:s6], [sflag:$0x2] =	stream.indirect_vreg.gather [hbm4b:s1+s3], $0x80, v4, vm0, $0xb8;
	[tilespmem:$0x10200] =	vst v63  }
0x94: {  	s6 =	simm.s32 $0xBA00  }
0x95: {  	[tilespmem:s6], [sflag:$0x2] =	stream.indirect_vreg.gather [hbm4b:s1+s3], $0x80, v3, vm0, $0xb8;
	[tilespmem:$0x10200] =	vst v63  }
0x96: {  	v3 =	vld [tilespmem:$0xC0];
	_ =	sdelay $0x4  }
0x97: {  	v44 =	vshll.u32 v3, $0x1  }
0x98: {  	v3 =	vand.u32 $0x7, v3;
	v4 =	vand.u32 $0xFFFFFFF0, v44  }
0x99: {  	v3 =	vor.u32 v3, v4  }
0x9a: {  	v4 =	vperm.xlane v3, v0;
	_ =	sdelay $0x1  }
0x9b: {  	v3 =	vperm.xlane v3, v2;
	v4 =	vadd.s32 v1, v4;
	_ =	sdelay $0x1  }
0x9c: {  	v3 =	vadd.s32 v1, v3;
	_ =	sdelay $0x1  }
0x9d: {  	s16 =	simm.s32 $0xC200  }
0x9e: {  	[tilespmem:s16], [sflag:$0x2] =	stream.indirect_vreg.gather [hbm4b:s1+s3], $0x80, v4, vm0, $0xb8;
	[tilespmem:$0x10200] =	vst v63  }
0x9f: {  	s16 =	simm.s32 $0xCA00  }
0xa0: {  	[tilespmem:s16], [sflag:$0x2] =	stream.indirect_vreg.gather [hbm4b:s1+s3], $0x80, v3, vm0, $0xb8;
	[tilespmem:$0x10200] =	vst v63  }
0xa1: {  	v3 =	vld [tilespmem:$0xD0];
	_ =	sdelay $0x4  }
0xa2: {  	v45 =	vshll.u32 v3, $0x1  }
0xa3: {  	v3 =	vand.u32 $0x7, v3;
	v4 =	vand.u32 $0xFFFFFFF0, v45  }
0xa4: {  	v3 =	vor.u32 v3, v4  }
0xa5: {  	v4 =	vperm.xlane v3, v0;
	_ =	sdelay $0x1  }
0xa6: {  	v3 =	vperm.xlane v3, v2;
	v4 =	vadd.s32 v1, v4;
	_ =	sdelay $0x1  }
0xa7: {  	v3 =	vadd.s32 v1, v3;
	_ =	sdelay $0x1  }
0xa8: {  	s16 =	simm.s32 $0xD200  }
0xa9: {  	[tilespmem:s16], [sflag:$0x2] =	stream.indirect_vreg.gather [hbm4b:s1+s3], $0x80, v4, vm0, $0xb8;
	[tilespmem:$0x10200] =	vst v63  }
0xaa: {  	s16 =	simm.s32 $0xDA00  }
0xab: {  	[tilespmem:s16], [sflag:$0x2] =	stream.indirect_vreg.gather [hbm4b:s1+s3], $0x80, v3, vm0, $0xb8;
	[tilespmem:$0x10200] =	vst v63  }
0xac: {  	v3 =	vld [tilespmem:$0xE0];
	_ =	sdelay $0x4  }
0xad: {  	v46 =	vshll.u32 v3, $0x1  }
0xae: {  	v3 =	vand.u32 $0x7, v3;
	v4 =	vand.u32 $0xFFFFFFF0, v46  }
0xaf: {  	v3 =	vor.u32 v3, v4  }
0xb0: {  	v4 =	vperm.xlane v3, v0;
	_ =	sdelay $0x1  }
0xb1: {  	v3 =	vperm.xlane v3, v2;
	v4 =	vadd.s32 v1, v4;
	_ =	sdelay $0x1  }
0xb2: {  	v3 =	vadd.s32 v1, v3;
	_ =	sdelay $0x1  }
0xb3: {  	s16 =	simm.s32 $0xE200  }
0xb4: {  	[tilespmem:s16], [sflag:$0x2] =	stream.indirect_vreg.gather [hbm4b:s1+s3], $0x80, v4, vm0, $0xb8;
	[tilespmem:$0x10200] =	vst v63  }
0xb5: {  	s16 =	simm.s32 $0xEA00  }
0xb6: {  	[tilespmem:s16], [sflag:$0x2] =	stream.indirect_vreg.gather [hbm4b:s1+s3], $0x80, v3, vm0, $0xb8;
	[tilespmem:$0x10200] =	vst v63  }
0xb7: {  	v3 =	vld [tilespmem:$0xF0];
	_ =	sdelay $0x4  }
0xb8: {  	v47 =	vshll.u32 v3, $0x1  }
0xb9: {  	v3 =	vand.u32 $0x7, v3;
	v4 =	vand.u32 $0xFFFFFFF0, v47  }
0xba: {  	v3 =	vor.u32 v3, v4  }
0xbb: {  	v4 =	vperm.xlane v3, v0;
	_ =	sdelay $0x1  }
0xbc: {  	v3 =	vperm.xlane v3, v2;
	v4 =	vadd.s32 v1, v4;
	_ =	sdelay $0x1  }
0xbd: {  	v3 =	vadd.s32 v1, v3;
	_ =	sdelay $0x1  }
0xbe: {  	s16 =	simm.s32 $0xF200  }
0xbf: {  	[tilespmem:s16], [sflag:$0x2] =	stream.indirect_vreg.gather [hbm4b:s1+s3], $0x80, v4, vm0, $0xb8;
	[tilespmem:$0x10200] =	vst v63  }
0xc0: {  	s16 =	simm.s32 $0xFA00  }
0xc1: {  	[tilespmem:s16], [sflag:$0x2] =	stream.indirect_vreg.gather [hbm4b:s1+s3], $0x80, v3, vm0, $0xb8;
	[tilespmem:$0x10200] =	vst v63  }
0xc2: {  	_ =	swait.ge [sflag:s13], $0x8000  }
0xc3: {  	[sflag:s13] =	ssyncset.done $0x0  }
0xc4: {  	s16 =	rddreg [dreg:$0x6];
	[sflag:s13] =	ssyncadd.s32 $0xFFFF8000  }
0xc5: {  	[hbm4b:s16+s3] =	stream.linear.scatter [tilespmem:s22], [sflag:$0x4], $0x8000, $0x38;
	[tilespmem:$0x10200] =	vst v63  }
0xc6: {  	_ =	swait.ge [sflag:s14], $0x8000  }
0xc7: {  	[sflag:s14] =	ssyncset.done $0x0  }
0xc8: {  	[sflag:s14] =	ssyncadd.s32 $0xFFFF8000  }
0xc9: {  	v3 =	vld [tilespmem:$0x100];
	_ =	sdelay $0x4  }
0xca: {  	v48 =	vshll.u32 v3, $0x1  }
0xcb: {  	v3 =	vand.u32 $0x7, v3;
	v4 =	vand.u32 $0xFFFFFFF0, v48  }
0xcc: {  	v3 =	vor.u32 v3, v4  }
0xcd: {  	v4 =	vperm.xlane v3, v0;
	_ =	sdelay $0x1  }
0xce: {  	v3 =	vperm.xlane v3, v2;
	v4 =	vadd.s32 v1, v4;
	_ =	sdelay $0x1  }
0xcf: {  	v3 =	vadd.s32 v1, v3;
	_ =	sdelay $0x2  }
0xd0: {  	[tilespmem:s23], [sflag:$0x1] =	stream.indirect_vreg.gather [hbm4b:s1+s3], $0x80, v4, vm0, $0xb8;
	[tilespmem:$0x10200] =	vst v63  }
0xd1: {  	_ = 	snop  }
0xd2: {  	[tilespmem:s17], [sflag:$0x1] =	stream.indirect_vreg.gather [hbm4b:s1+s3], $0x80, v3, vm0, $0xb8;
	[tilespmem:$0x10200] =	vst v63  }
0xd3: {  	v3 =	vld [tilespmem:$0x110];
	_ =	sdelay $0x4  }
0xd4: {  	v49 =	vshll.u32 v3, $0x1  }
0xd5: {  	v3 =	vand.u32 $0x7, v3;
	v4 =	vand.u32 $0xFFFFFFF0, v49  }
0xd6: {  	v3 =	vor.u32 v3, v4  }
0xd7: {  	v4 =	vperm.xlane v3, v0;
	_ =	sdelay $0x1  }
0xd8: {  	v3 =	vperm.xlane v3, v2;
	v4 =	vadd.s32 v1, v4;
	_ =	sdelay $0x1  }
0xd9: {  	v3 =	vadd.s32 v1, v3;
	_ =	sdelay $0x2  }
0xda: {  	[tilespmem:s18], [sflag:$0x1] =	stream.indirect_vreg.gather [hbm4b:s1+s3], $0x80, v4, vm0, $0xb8;
	[tilespmem:$0x10200] =	vst v63  }
0xdb: {  	_ = 	snop  }
0xdc: {  	[tilespmem:s19], [sflag:$0x1] =	stream.indirect_vreg.gather [hbm4b:s1+s3], $0x80, v3, vm0, $0xb8;
	[tilespmem:$0x10200] =	vst v63  }
0xdd: {  	v3 =	vld [tilespmem:$0x120];
	_ =	sdelay $0x4  }
0xde: {  	v50 =	vshll.u32 v3, $0x1  }
0xdf: {  	v3 =	vand.u32 $0x7, v3;
	v4 =	vand.u32 $0xFFFFFFF0, v50  }
0xe0: {  	v3 =	vor.u32 v3, v4  }
0xe1: {  	v4 =	vperm.xlane v3, v0;
	_ =	sdelay $0x1  }
0xe2: {  	v3 =	vperm.xlane v3, v2;
	v4 =	vadd.s32 v1, v4;
	_ =	sdelay $0x1  }
0xe3: {  	v3 =	vadd.s32 v1, v3;
	_ =	sdelay $0x2  }
0xe4: {  	[tilespmem:s20], [sflag:$0x1] =	stream.indirect_vreg.gather [hbm4b:s1+s3], $0x80, v4, vm0, $0xb8;
	[tilespmem:$0x10200] =	vst v63  }
0xe5: {  	_ = 	snop  }
0xe6: {  	[tilespmem:s21], [sflag:$0x1] =	stream.indirect_vreg.gather [hbm4b:s1+s3], $0x80, v3, vm0, $0xb8;
	[tilespmem:$0x10200] =	vst v63  }
0xe7: {  	v3 =	vld [tilespmem:$0x130];
	_ =	sdelay $0x4  }
0xe8: {  	v51 =	vshll.u32 v3, $0x1  }
0xe9: {  	v3 =	vand.u32 $0x7, v3;
	v4 =	vand.u32 $0xFFFFFFF0, v51  }
0xea: {  	v3 =	vor.u32 v3, v4  }
0xeb: {  	v4 =	vperm.xlane v3, v0;
	_ =	sdelay $0x1  }
0xec: {  	v3 =	vperm.xlane v3, v2;
	v4 =	vadd.s32 v1, v4;
	_ =	sdelay $0x1  }
0xed: {  	v3 =	vadd.s32 v1, v3;
	_ =	sdelay $0x2  }
0xee: {  	[tilespmem:s24], [sflag:$0x1] =	stream.indirect_vreg.gather [hbm4b:s1+s3], $0x80, v4, vm0, $0xb8;
	[tilespmem:$0x10200] =	vst v63  }
0xef: {  	_ = 	snop  }
0xf0: {  	[tilespmem:s25], [sflag:$0x1] =	stream.indirect_vreg.gather [hbm4b:s1+s3], $0x80, v3, vm0, $0xb8;
	[tilespmem:$0x10200] =	vst v63  }
0xf1: {  	v3 =	vld [tilespmem:$0x140];
	_ =	sdelay $0x4  }
0xf2: {  	v52 =	vshll.u32 v3, $0x1  }
0xf3: {  	v3 =	vand.u32 $0x7, v3;
	v4 =	vand.u32 $0xFFFFFFF0, v52  }
0xf4: {  	v3 =	vor.u32 v3, v4  }
0xf5: {  	v4 =	vperm.xlane v3, v0;
	_ =	sdelay $0x1  }
0xf6: {  	v3 =	vperm.xlane v3, v2;
	v4 =	vadd.s32 v1, v4;
	_ =	sdelay $0x1  }
0xf7: {  	v3 =	vadd.s32 v1, v3;
	_ =	sdelay $0x2  }
0xf8: {  	[tilespmem:s26], [sflag:$0x1] =	stream.indirect_vreg.gather [hbm4b:s1+s3], $0x80, v4, vm0, $0xb8;
	[tilespmem:$0x10200] =	vst v63  }
0xf9: {  	_ = 	snop  }
0xfa: {  	[tilespmem:s28], [sflag:$0x1] =	stream.indirect_vreg.gather [hbm4b:s1+s3], $0x80, v3, vm0, $0xb8;
	[tilespmem:$0x10200] =	vst v63  }
0xfb: {  	v3 =	vld [tilespmem:$0x150];
	_ =	sdelay $0x4  }
0xfc: {  	v53 =	vshll.u32 v3, $0x1  }
0xfd: {  	v3 =	vand.u32 $0x7, v3;
	v4 =	vand.u32 $0xFFFFFFF0, v53  }
0xfe: {  	v3 =	vor.u32 v3, v4  }
0xff: {  	v4 =	vperm.xlane v3, v0;
	_ =	sdelay $0x1  }
0x100: {  	v3 =	vperm.xlane v3, v2;
	v4 =	vadd.s32 v1, v4;
	_ =	sdelay $0x1  }
0x101: {  	v3 =	vadd.s32 v1, v3;
	_ =	sdelay $0x2  }
0x102: {  	[tilespmem:s29], [sflag:$0x1] =	stream.indirect_vreg.gather [hbm4b:s1+s3], $0x80, v4, vm0, $0xb8;
	[tilespmem:$0x10200] =	vst v63  }
0x103: {  	_ = 	snop  }
0x104: {  	[tilespmem:s30], [sflag:$0x1] =	stream.indirect_vreg.gather [hbm4b:s1+s3], $0x80, v3, vm0, $0xb8;
	[tilespmem:$0x10200] =	vst v63  }
0x105: {  	v3 =	vld [tilespmem:$0x160];
	_ =	sdelay $0x4  }
0x106: {  	v54 =	vshll.u32 v3, $0x1  }
0x107: {  	v3 =	vand.u32 $0x7, v3;
	v4 =	vand.u32 $0xFFFFFFF0, v54  }
0x108: {  	v3 =	vor.u32 v3, v4  }
0x109: {  	v4 =	vperm.xlane v3, v0;
	_ =	sdelay $0x1  }
0x10a: {  	v3 =	vperm.xlane v3, v2;
	v4 =	vadd.s32 v1, v4;
	_ =	sdelay $0x1  }
0x10b: {  	v3 =	vadd.s32 v1, v3;
	_ =	sdelay $0x2  }
0x10c: {  	[tilespmem:s31], [sflag:$0x1] =	stream.indirect_vreg.gather [hbm4b:s1+s3], $0x80, v4, vm0, $0xb8;
	[tilespmem:$0x10200] =	vst v63  }
0x10d: {  	_ = 	snop  }
0x10e: {  	[tilespmem:s2], [sflag:$0x1] =	stream.indirect_vreg.gather [hbm4b:s1+s3], $0x80, v3, vm0, $0xb8;
	[tilespmem:$0x10200] =	vst v63  }
0x10f: {  	v3 =	vld [tilespmem:$0x170];
	_ =	sdelay $0x4  }
0x110: {  	v55 =	vshll.u32 v3, $0x1  }
0x111: {  	v3 =	vand.u32 $0x7, v3;
	v4 =	vand.u32 $0xFFFFFFF0, v55  }
0x112: {  	v3 =	vor.u32 v3, v4  }
0x113: {  	v4 =	vperm.xlane v3, v0;
	_ =	sdelay $0x1  }
0x114: {  	v3 =	vperm.xlane v3, v2;
	v4 =	vadd.s32 v1, v4;
	_ =	sdelay $0x1  }
0x115: {  	v3 =	vadd.s32 v1, v3;
	_ =	sdelay $0x2  }
0x116: {  	[tilespmem:s5], [sflag:$0x1] =	stream.indirect_vreg.gather [hbm4b:s1+s3], $0x80, v4, vm0, $0xb8;
	[tilespmem:$0x10200] =	vst v63  }
0x117: {  	_ = 	snop  }
0x118: {  	[tilespmem:s7], [sflag:$0x1] =	stream.indirect_vreg.gather [hbm4b:s1+s3], $0x80, v3, vm0, $0xb8;
	[tilespmem:$0x10200] =	vst v63  }
0x119: {  	_ =	swait.ge [sflag:s0], $0x8000  }
0x11a: {  	[sflag:s0] =	ssyncset.done $0x0  }
0x11b: {  	s16 =	rddreg [dreg:$0x7];
	[sflag:s0] =	ssyncadd.s32 $0xFFFF8000  }
0x11c: {  	[hbm4b:s16+s3] =	stream.linear.scatter [tilespmem:s23], [sflag:$0x3], $0x8000, $0x38;
	[tilespmem:$0x10200] =	vst v63  }
0x11d: {  	_ =	swait.ge [sflag:s15], $0x8000  }
0x11e: {  	[sflag:s15] =	ssyncset.done $0x0  }
0x11f: {  	[sflag:s15] =	ssyncadd.s32 $0xFFFF8000  }
0x120: {  	v3 =	vld [tilespmem:$0x180];
	_ =	sdelay $0x4  }
0x121: {  	v56 =	vshll.u32 v3, $0x1  }
0x122: {  	v3 =	vand.u32 $0x7, v3;
	v4 =	vand.u32 $0xFFFFFFF0, v56  }
0x123: {  	v3 =	vor.u32 v3, v4  }
0x124: {  	v4 =	vperm.xlane v3, v0;
	_ =	sdelay $0x1  }
0x125: {  	v3 =	vperm.xlane v3, v2;
	v4 =	vadd.s32 v1, v4;
	_ =	sdelay $0x1  }
0x126: {  	v3 =	vadd.s32 v1, v3;
	_ =	sdelay $0x2  }
0x127: {  	[tilespmem:s22], [sflag:$0x2] =	stream.indirect_vreg.gather [hbm4b:s1+s3], $0x80, v4, vm0, $0xb8;
	[tilespmem:$0x10200] =	vst v63  }
0x128: {  	_ = 	snop  }
0x129: {  	[tilespmem:s8], [sflag:$0x2] =	stream.indirect_vreg.gather [hbm4b:s1+s3], $0x80, v3, vm0, $0xb8;
	[tilespmem:$0x10200] =	vst v63  }
0x12a: {  	v3 =	vld [tilespmem:$0x190];
	_ =	sdelay $0x4  }
0x12b: {  	v57 =	vshll.u32 v3, $0x1  }
0x12c: {  	v3 =	vand.u32 $0x7, v3;
	v4 =	vand.u32 $0xFFFFFFF0, v57  }
0x12d: {  	v3 =	vor.u32 v3, v4  }
0x12e: {  	v4 =	vperm.xlane v3, v0;
	_ =	sdelay $0x1  }
0x12f: {  	v3 =	vperm.xlane v3, v2;
	v4 =	vadd.s32 v1, v4;
	_ =	sdelay $0x1  }
0x130: {  	v3 =	vadd.s32 v1, v3;
	_ =	sdelay $0x2  }
0x131: {  	[tilespmem:s9], [sflag:$0x2] =	stream.indirect_vreg.gather [hbm4b:s1+s3], $0x80, v4, vm0, $0xb8;
	[tilespmem:$0x10200] =	vst v63  }
0x132: {  	_ = 	snop  }
0x133: {  	[tilespmem:s10], [sflag:$0x2] =	stream.indirect_vreg.gather [hbm4b:s1+s3], $0x80, v3, vm0, $0xb8;
	[tilespmem:$0x10200] =	vst v63  }
0x134: {  	v3 =	vld [tilespmem:$0x1A0];
	_ =	sdelay $0x4  }
0x135: {  	v58 =	vshll.u32 v3, $0x1  }
0x136: {  	v3 =	vand.u32 $0x7, v3;
	v4 =	vand.u32 $0xFFFFFFF0, v58  }
0x137: {  	v3 =	vor.u32 v3, v4  }
0x138: {  	v4 =	vperm.xlane v3, v0;
	_ =	sdelay $0x1  }
0x139: {  	v3 =	vperm.xlane v3, v2;
	v4 =	vadd.s32 v1, v4;
	_ =	sdelay $0x1  }
0x13a: {  	v3 =	vadd.s32 v1, v3;
	_ =	sdelay $0x2  }
0x13b: {  	[tilespmem:s11], [sflag:$0x2] =	stream.indirect_vreg.gather [hbm4b:s1+s3], $0x80, v4, vm0, $0xb8;
	[tilespmem:$0x10200] =	vst v63  }
0x13c: {  	_ = 	snop  }
0x13d: {  	[tilespmem:s12], [sflag:$0x2] =	stream.indirect_vreg.gather [hbm4b:s1+s3], $0x80, v3, vm0, $0xb8;
	[tilespmem:$0x10200] =	vst v63  }
0x13e: {  	v3 =	vld [tilespmem:$0x1B0];
	_ =	sdelay $0x4  }
0x13f: {  	v59 =	vshll.u32 v3, $0x1  }
0x140: {  	v3 =	vand.u32 $0x7, v3;
	v4 =	vand.u32 $0xFFFFFFF0, v59  }
0x141: {  	v3 =	vor.u32 v3, v4  }
0x142: {  	v4 =	vperm.xlane v3, v0;
	_ =	sdelay $0x1  }
0x143: {  	v3 =	vperm.xlane v3, v2;
	v4 =	vadd.s32 v1, v4;
	_ =	sdelay $0x1  }
0x144: {  	v3 =	vadd.s32 v1, v3;
	_ =	sdelay $0x1  }
0x145: {  	s16 =	simm.s32 $0xB200  }
0x146: {  	[tilespmem:s16], [sflag:$0x2] =	stream.indirect_vreg.gather [hbm4b:s1+s3], $0x80, v4, vm0, $0xb8;
	[tilespmem:$0x10200] =	vst v63  }
0x147: {  	_ = 	snop  }
0x148: {  	[tilespmem:s6], [sflag:$0x2] =	stream.indirect_vreg.gather [hbm4b:s1+s3], $0x80, v3, vm0, $0xb8;
	[tilespmem:$0x10200] =	vst v63  }
0x149: {  	v3 =	vld [tilespmem:$0x1C0];
	_ =	sdelay $0x4  }
0x14a: {  	v60 =	vshll.u32 v3, $0x1  }
0x14b: {  	v3 =	vand.u32 $0x7, v3;
	v4 =	vand.u32 $0xFFFFFFF0, v60  }
0x14c: {  	v3 =	vor.u32 v3, v4  }
0x14d: {  	v4 =	vperm.xlane v3, v0;
	_ =	sdelay $0x1  }
0x14e: {  	v3 =	vperm.xlane v3, v2;
	v4 =	vadd.s32 v1, v4;
	_ =	sdelay $0x1  }
0x14f: {  	v3 =	vadd.s32 v1, v3;
	_ =	sdelay $0x1  }
0x150: {  	s6 =	simm.s32 $0xC200  }
0x151: {  	[tilespmem:s6], [sflag:$0x2] =	stream.indirect_vreg.gather [hbm4b:s1+s3], $0x80, v4, vm0, $0xb8;
	[tilespmem:$0x10200] =	vst v63  }
0x152: {  	s16 =	simm.s32 $0xCA00  }
0x153: {  	[tilespmem:s16], [sflag:$0x2] =	stream.indirect_vreg.gather [hbm4b:s1+s3], $0x80, v3, vm0, $0xb8;
	[tilespmem:$0x10200] =	vst v63  }
0x154: {  	v3 =	vld [tilespmem:$0x1D0];
	_ =	sdelay $0x4  }
0x155: {  	v61 =	vshll.u32 v3, $0x1  }
0x156: {  	v3 =	vand.u32 $0x7, v3;
	v4 =	vand.u32 $0xFFFFFFF0, v61  }
0x157: {  	v3 =	vor.u32 v3, v4  }
0x158: {  	v4 =	vperm.xlane v3, v0;
	_ =	sdelay $0x1  }
0x159: {  	v3 =	vperm.xlane v3, v2;
	v4 =	vadd.s32 v1, v4;
	_ =	sdelay $0x1  }
0x15a: {  	v3 =	vadd.s32 v1, v3;
	_ =	sdelay $0x1  }
0x15b: {  	s6 =	simm.s32 $0xD200  }
0x15c: {  	[tilespmem:s6], [sflag:$0x2] =	stream.indirect_vreg.gather [hbm4b:s1+s3], $0x80, v4, vm0, $0xb8;
	[tilespmem:$0x10200] =	vst v63  }
0x15d: {  	s16 =	simm.s32 $0xDA00  }
0x15e: {  	[tilespmem:s16], [sflag:$0x2] =	stream.indirect_vreg.gather [hbm4b:s1+s3], $0x80, v3, vm0, $0xb8;
	[tilespmem:$0x10200] =	vst v63  }
0x15f: {  	v3 =	vld [tilespmem:$0x1E0];
	_ =	sdelay $0x4  }
0x160: {  	v62 =	vshll.u32 v3, $0x1  }
0x161: {  	v3 =	vand.u32 $0x7, v3;
	v4 =	vand.u32 $0xFFFFFFF0, v62  }
0x162: {  	v3 =	vor.u32 v3, v4  }
0x163: {  	v4 =	vperm.xlane v3, v0;
	_ =	sdelay $0x1  }
0x164: {  	v3 =	vperm.xlane v3, v2;
	v4 =	vadd.s32 v1, v4;
	_ =	sdelay $0x1  }
0x165: {  	v3 =	vadd.s32 v1, v3;
	_ =	sdelay $0x1  }
0x166: {  	s6 =	simm.s32 $0xE200  }
0x167: {  	[tilespmem:s6], [sflag:$0x2] =	stream.indirect_vreg.gather [hbm4b:s1+s3], $0x80, v4, vm0, $0xb8;
	[tilespmem:$0x10200] =	vst v63  }
0x168: {  	s16 =	simm.s32 $0xEA00  }
0x169: {  	[tilespmem:s16], [sflag:$0x2] =	stream.indirect_vreg.gather [hbm4b:s1+s3], $0x80, v3, vm0, $0xb8;
	[tilespmem:$0x10200] =	vst v63  }
0x16a: {  	v3 =	vld [tilespmem:$0x1F0];
	_ =	sdelay $0x4  }
0x16b: {  	v63 =	vshll.u32 v3, $0x1  }
0x16c: {  	v3 =	vand.u32 $0x7, v3;
	v4 =	vand.u32 $0xFFFFFFF0, v63  }
0x16d: {  	v3 =	vor.u32 v3, v4  }
0x16e: {  	v4 =	vperm.xlane v3, v0;
	_ =	sdelay $0x1  }
0x16f: {  	v3 =	vperm.xlane v3, v2;
	v4 =	vadd.s32 v1, v4;
	_ =	sdelay $0x1  }
0x170: {  	v3 =	vadd.s32 v1, v3;
	_ =	sdelay $0x1  }
0x171: {  	s6 =	simm.s32 $0xF200  }
0x172: {  	[tilespmem:s6], [sflag:$0x2] =	stream.indirect_vreg.gather [hbm4b:s1+s3], $0x80, v4, vm0, $0xb8;
	[tilespmem:$0x10200] =	vst v63  }
0x173: {  	s16 =	simm.s32 $0xFA00  }
0x174: {  	[tilespmem:s16], [sflag:$0x2] =	stream.indirect_vreg.gather [hbm4b:s1+s3], $0x80, v3, vm0, $0xb8;
	[tilespmem:$0x10200] =	vst v63  }
0x175: {  	_ =	swait.ge [sflag:s13], $0x8000  }
0x176: {  	[sflag:s13] =	ssyncset.done $0x0  }
0x177: {  	s6 =	rddreg [dreg:$0x8];
	[sflag:s13] =	ssyncadd.s32 $0xFFFF8000  }
0x178: {  	[hbm4b:s6+s3] =	stream.linear.scatter [tilespmem:s22], [sflag:$0x4], $0x8000, $0x38;
	[tilespmem:$0x10200] =	vst v63  }
0x179: {  	p0 =	sne.s32 s4, $0x1;
	_ =	swait.ge [sflag:s14], $0x8000  }
.Ltmp0:
0x17a: {  	[sflag:s14] =	ssyncset.done $0x0;
	(pc) =	sbr.rel @p0 .LBB2_1-.Ltmp0, $4  }
0x17b: {  	[sflag:s14] =	ssyncadd.s32 $0xFFFF8000  }
0x17c: {  	_ =	swait.ge [sflag:s15], $0x8000  }
0x17d: {  	[sflag:s15] =	ssyncset.done $0x0  }
0x17e: {  	s4 =	sadd.s32 $0xFFFFFFFF, s4;
	[sflag:s15] =	ssyncadd.s32 $0xFFFF8000  }
0x17f: {  	_ =	sfence.sel $0x180000  }
0x180: {  	[bflag:$0x0] =	sbarrier.arrive $0xFFFF  }
0x181: {  	_ =	strace $0x90000047  }
0x182: {  	s0 =	stileid.u32;
	[bflag:$0x2] =	sbarrier.arrive $0xFFFF  }
0x183: {  	p0 =	sne.s32 s0, $0x0;
	s0 =	rddreg [dreg:$0x3]  }
0x184: {  	s0 =	sadd.s32 @!p0 $0x100000, s0  }
0x185: {  	[sflag:s0] =	ssyncadd.tile.s32 @!p0 $0x1;
	_ =	shalt  }
.Lfunc_end2:
_tile_overlayer_lowered:
.L_overlay_start_2:
0x186: {  	(tag) =	ssettag $0x2  }
0x187: {  	s0 =	rddreg [dreg:$0x0];
	s2 =	stileid.u32  }
0x188: {  	s1 =	rddreg [dreg:$0x1];
	p0 =	sne.s32 s2, $0x0  }
0x189: {  	s3 =	rddreg [dreg:$0x2];
	[bflag:$0x3] =	sbarrier.arrive $0xFFFF;
	s2 =	simm.s32 @!p0 $0x1C05  }
0x18a: {  	[timem:s3], [sflag:s2] =	dma.local @!p0 [hbm:s0], s1  }
0x18b: {  	s0 =	simm.s32 @!p0 $0x5  }
0x18c: {  	_ =	swait.ge @!p0 [sflag:s0], s1  }
0x18d: {  	s1 =	ssub.s32 @!p0 $0x0, s1;
	[sflag:s0] =	ssyncset.done @!p0 $0x0  }
0x18e: {  	[sflag:s0] =	ssyncadd.s32 @!p0 s1  }
0x18f: {  	[bflag:$0x3] =	sbarrier.arrive $0xFFFF  }
0x190: {  	_ =	shalt  }

// kernel: kernel.9.cloned.1.call-start
scs
__scs_entry_jumppad:
0x0: {  	(pc) =	sbr.rel $0x88, $3  }
0x1: {  	(tag) =	ssettag $0x0;
	lr =	simm.s32 $0x1  }
0x2: {  	[smem:$0x3F9F] =	sst lr;
	_ =	strace $0xD0000000  }
0x3: {  	_ = 	snop  }
0x4: {  	_ = 	snop  }
0x5: {  	_ = 	snop  }
0x6: {  	_ = 	snop  }
0x7: {  	_ = 	snop  }
__scs_overlays_trampoline_lowered:
0x8: {  	[smem:$0x3FAE] =	sst s0  }
0x9: {  	[smem:$0x3FAF] =	sst s1  }
0xa: {  	[smem:$0x3FB0] =	sst s2  }
0xb: {  	[smem:$0x3FB1] =	sst s3  }
0xc: {  	[smem:$0x3FB2] =	sst s4  }
0xd: {  	[smem:$0x3FB3] =	sst s5  }
0xe: {  	[smem:$0x3FB4] =	sst s6  }
0xf: {  	[smem:$0x3FB5] =	sst s7  }
0x10: {  	[smem:$0x3FB6] =	sst s8  }
0x11: {  	[smem:$0x3FB7] =	sst s9;
	s0 =	simm.s32 @!p0 $0x0  }
0x12: {  	s1 =	sld [smem:$0x3F9D];
	s0 =	simm.s32 @p0 $0x1  }
0x13: {  	[smem:$0x3FB8] =	sst s0;
	s0 =	simm.s32 @!p1 $0x0  }
0x14: {  	s2 =	sld [smem:$0x3F9C];
	s0 =	simm.s32 @p1 $0x1  }
0x15: {  	[smem:$0x3FB9] =	sst s0;
	s0 =	simm.s32 @!p2 $0x0  }
0x16: {  	s3 =	sld [smem:$0x3FDB];
	s0 =	simm.s32 @p2 $0x1  }
0x17: {  	s4 =	simm.s32 $0x1BF5;
	[smem:$0x3FBB] =	sst s0  }
0x18: {  	s0 =	sld [smem:$0x3F9E];
	_ =	swait.ge [sflag:s4], $0x0  }
0x19: {  	s7 =	sld [smem:$0x3F9F]  }
0x1a: {  	s8 =	sadd.s32 $0xFFFFE003, lr  }
0x1b: {  	s9 =	sadd.s32 $0xFFFFFEF7, lr;
	s5 =	simm.s32 $0xFFFFFFFF;
	p2 =	slt.u32 s8, $0xFFFFF086  }
0x1c: {  	p1 =	slt.u32 s9, $0xF7A;
	s5 =	simm.s32 @!p2 $0x0  }
0x1d: {  	s5 =	simm.s32 @p1 $0x1;
	p0 =	seq.s32 s7, s2  }
0x1e: {  	s7 =	smul.u32 @!p0 $0xF7A, s2;
	p2 =	seq.s32 @!p0 s5, $0x0  }
0x1f: {  	s9 =	smul.u32 $0xF7A, s1;
	s8 =	simm.s32 @!p0 $0x1BF5;
	p2 =	por !p2, p0  }
0x20: {  	[sflag:s8] =	ssyncset.s32 @!p0 $0xFFFFF086;
	s6 =	sadd.s32 @!p0 s3, s7;
	s7 =	simm.s32 @!p0 $0x108  }
0x21: {  	s3 =	sadd.s32 s3, s9;
	s6 =	sadd.s32 @!p0 $0x88, s6;
	s7 =	simm.s32 @p2 $0x1082  }
0x22: {  	[simem:s7], [sflag:s8] =	dma.local @!p0 [hbm:s6], $0xF7A  }
0x23: {  	s9 =	sor.u32 $0xD0000000, s2;
	s6 =	simm.s32 $0x108;
	_ =	swait.ge @!p0 [sflag:s8], $0x0  }
0x24: {  	s3 =	sadd.s32 $0x88, s3;
	s6 =	simm.s32 @!p1 $0x1082;
	[sflag:s4] =	ssyncset.s32 $0xFFFFF086  }
0x25: {  	[simem:s6], [sflag:s4] =	dma.local [hbm:s3], $0xF7A  }
0x26: {  	[smem:$0x3F9F] =	sst s1;
	(tag) =	ssettag s2;
	_ =	strace s9  }
0x27: {  	s1 =	sld [smem:$0x3FAF]  }
0x28: {  	s2 =	sld [smem:$0x3FB0]  }
0x29: {  	s4 =	sld [smem:$0x3FB2]  }
0x2a: {  	p0 =	seq.s32 s5, $0x0;
	s5 =	sld [smem:$0x3FB3]  }
0x2b: {  	s6 =	sld [smem:$0x3FB4]  }
0x2c: {  	s7 =	sld [smem:$0x3FB5]  }
0x2d: {  	s3 =	simm.s32 $0x108;
	s8 =	sld [smem:$0x3FB6]  }
0x2e: {  	s3 =	simm.s32 @!p0 $0x1082;
	s9 =	sld [smem:$0x3FB7]  }
0x2f: {  	lr =	sadd.s32 s0, s3;
	s0 =	sld [smem:$0x3FAE]  }
0x30: {  	s3 =	sld [smem:$0x3FB1]  }
0x31: {  	[smem:$0x3FBA] =	sst s10  }
0x32: {  	s10 =	sld [smem:$0x3FB8];
	_ =	sdelay $0x3  }
0x33: {  	p0 =	seq.s32 s10, $0x1;
	s10 =	sld [smem:$0x3FBA];
	_ =	sdelay $0x3  }
0x34: {  	[smem:$0x3FBA] =	sst s10  }
0x35: {  	s10 =	sld [smem:$0x3FB9];
	_ =	sdelay $0x3  }
0x36: {  	p1 =	seq.s32 s10, $0x1;
	s10 =	sld [smem:$0x3FBA];
	_ =	sdelay $0x3  }
0x37: {  	[smem:$0x3FBA] =	sst s10  }
0x38: {  	s10 =	sld [smem:$0x3FBB]  }
0x39: {  	_ = 	snop;
	(pc) =	sbr.ind lr, $3  }
0x3a: {  	_ = 	snop  }
0x3b: {  	_ = 	snop  }
0x3c: {  	p2 =	seq.s32 s10, $0x1;
	s10 =	sld [smem:$0x3FBA]  }
0x3d: {  	_ =	shalt  }
0x3e: {  	_ =	shalt  }
0x3f: {  	_ =	shalt  }
0x40: {  	_ =	shalt  }
0x41: {  	_ =	shalt  }
0x42: {  	_ =	shalt  }
0x43: {  	_ =	shalt  }
0x44: {  	_ =	shalt  }
0x45: {  	_ =	shalt  }
0x46: {  	_ =	shalt  }
0x47: {  	_ =	shalt  }
0x48: {  	_ =	shalt  }
0x49: {  	_ =	shalt  }
0x4a: {  	_ =	shalt  }
0x4b: {  	_ =	shalt  }
0x4c: {  	_ =	shalt  }
0x4d: {  	_ =	shalt  }
0x4e: {  	_ =	shalt  }
0x4f: {  	_ =	shalt  }
0x50: {  	_ =	shalt  }
0x51: {  	_ =	shalt  }
0x52: {  	_ =	shalt  }
0x53: {  	_ =	shalt  }
0x54: {  	_ =	shalt  }
0x55: {  	_ =	shalt  }
0x56: {  	_ =	shalt  }
0x57: {  	_ =	shalt  }
0x58: {  	_ =	shalt  }
0x59: {  	_ =	shalt  }
0x5a: {  	_ =	shalt  }
0x5b: {  	_ =	shalt  }
0x5c: {  	_ =	shalt  }
0x5d: {  	_ =	shalt  }
0x5e: {  	_ =	shalt  }
0x5f: {  	_ =	shalt  }
0x60: {  	_ =	shalt  }
0x61: {  	_ =	shalt  }
0x62: {  	_ =	shalt  }
0x63: {  	_ =	shalt  }
0x64: {  	_ =	shalt  }
0x65: {  	_ =	shalt  }
0x66: {  	_ =	shalt  }
0x67: {  	_ =	shalt  }
0x68: {  	_ =	shalt  }
0x69: {  	_ =	shalt  }
0x6a: {  	_ =	shalt  }
0x6b: {  	_ =	shalt  }
0x6c: {  	_ =	shalt  }
0x6d: {  	_ =	shalt  }
0x6e: {  	_ =	shalt  }
0x6f: {  	_ =	shalt  }
0x70: {  	_ =	shalt  }
0x71: {  	_ =	shalt  }
0x72: {  	_ =	shalt  }
0x73: {  	_ =	shalt  }
0x74: {  	_ =	shalt  }
0x75: {  	_ =	shalt  }
0x76: {  	_ =	shalt  }
0x77: {  	_ =	shalt  }
0x78: {  	_ =	shalt  }
0x79: {  	_ =	shalt  }
0x7a: {  	_ =	shalt  }
0x7b: {  	_ =	shalt  }
0x7c: {  	_ =	shalt  }
0x7d: {  	_ =	shalt  }
0x7e: {  	_ =	shalt  }
0x7f: {  	_ =	shalt  }
0x80: {  	_ =	shalt  }
0x81: {  	_ =	shalt  }
0x82: {  	_ =	shalt  }
0x83: {  	_ =	shalt  }
0x84: {  	_ =	shalt  }
0x85: {  	_ =	shalt  }
0x86: {  	_ =	shalt  }
0x87: {  	_ =	shalt  }
.Lfunc_end0:
.L_simem_size_0:
called_computation.1_lowered:
.L_overlay_start_0:
0x88: {  	s2 =	sld [smem:$0x3FD9]  }
0x89: {  	s3 =	sld [smem:$0x3FFE];
	_ =	sdelay $0x1  }
0x8a: {  	s1 =	srdreg.scid  }
0x8b: {  	s0 =	sand.u32 $0x1, s1  }
0x8c: {  	s14 =	sshll.u32 s0, $0xA;
	s2 =	sadd.s32 s3, s2  }
0x8d: {  	s2 =	sadd.s32 s2, s14  }
0x8e: {  	[smem:$0x3FC6] =	sst s2  }
0x8f: {  	_ = 	snop  }
0x90: {  	s2 =	sld [smem:$0x3FD0];
	_ =	sdelay $0x2  }
0x91: {  	s4 =	simm.s32 $0xA;
	s5 =	simm.s32 $0x10;
	s15 =	sld [smem:$0x3FC8]  }
0x92: {  	[smem:s5], [sflag:s4] =	dma.local [hbm:s2], $0x1  }
0x93: {  	_ =	swait.eq [sflag:s4], $0x1  }
0x94: {  	[sflag:s4] =	ssyncset.done $0x0  }
0x95: {  	[sflag:s4] =	ssyncadd.s32 $0xFFFFFFFF  }
0x96: {  	s16 =	sld [smem:$0x10];
	(tm) =	ssettm $0x1  }
0x97: {  	s17 =	sld [smem:$0x3FFB];
	_ =	sdelay $0x3  }
0x98: {  	_ =	strace s17  }
0x99: {  	s4 =	sld [smem:$0x3FFC];
	_ =	sdelay $0x3  }
0x9a: {  	_ =	strace s4  }
0x9b: {  	s4 =	sld [smem:$0x3FFD];
	_ =	sdelay $0x3  }
0x9c: {  	_ =	strace s4  }
0x9d: {  	_ =	strace $0x8FFFFFFF  }
0x9e: {  	s18 =	sld [smem:$0x3FDB];
	_ =	sdelay $0x1  }
0x9f: {  	s19 =	simm.s32 $_scs_section_size  }
0xa0: {  	s6 =	simm.s32 $_size__tile_overlayer_lowered;
	s7 =	simm.s32 $_tile_overlayer_lowered  }
0xa1: {  	s22 =	simm.s32 $0x1BFF;
	s21 =	sshll.u32 s7, $0x1;
	s4 =	sadd.s32 s19, s18  }
0xa2: {  	s8 =	simm.s32 $0x0;
	s20 =	sshll.u32 s6, $0x1;
	s6 =	sadd.s32 s21, s4  }
0xa3: {  	[timem:s8], [sflag:s22] =	dma.local [hbm:s6], s20  }
0xa4: {  	_ =	swait.ge [sflag:s22], s20  }
0xa5: {  	s5 =	ssub.s32 $0x0, s20;
	[sflag:s22] =	ssyncset.done $0x0  }
0xa6: {  	[sflag:s22] =	ssyncadd.s32 s5;
	_ =	sdelay $0x1  }
0xa7: {  	s23 =	simm.s32 $0x1B8B  }
0xa8: {  	_ =	swait.ge [sflag:s23], $0x1  }
0xa9: {  	[sflag:s23] =	ssyncset.done $0x0  }
0xaa: {  	s25 =	simm.s32 $0x1B8E;
	s24 =	sld [smem:$0x3FFE];
	[sflag:s23] =	ssyncadd.s32 $0xFFFFFFFF  }
0xab: {  	s26 =	simm.s32 $execute0_lowered;
	[smem:$0x3FD2] =	sst s25  }
0xac: {  	s6 =	sshll.u32 s26, $0x1;
	_ =	strace $0x80000049;
	[dreg:$0x1] =	wrdreg $0xFFFFFFFF  }
0xad: {  	s28 =	simm.s32 $_size_execute0_lowered;
	s4 =	sadd.s32 s4, s6;
	[dreg:$0x0] =	wrdreg $0x0  }
0xae: {  	s6 =	sshll.u32 s28, $0x1;
	[dreg:$0x2] =	wrdreg s4  }
0xaf: {  	[dreg:$0x3] =	wrdreg s6  }
0xb0: {  	[dreg:$0x4] =	wrdreg $0xC0  }
0xb1: {  	_ =	task [dreg:s8], $0x5FFFF  }
0xb2: {  	[dreg:$0x1] =	wrdreg $0xFFFFFFFF  }
0xb3: {  	[dreg:$0x0] =	wrdreg $0x60  }
0xb4: {  	[dreg:$0x2] =	wrdreg s15  }
0xb5: {  	[dreg:$0x3] =	wrdreg s24  }
0xb6: {  	[dreg:$0x4] =	wrdreg s16  }
0xb7: {  	[dreg:$0x5] =	wrdreg $0x9  }
0xb8: {  	_ =	task.clear_ibuf [dreg:s8], $0x6FFFF;
	_ =	strace $0x90000049  }
0xb9: {  	s29 =	simm.s32 $0x9;
	_ =	strace $0x8000004B  }
0xba: {  	_ =	swait.ge [sflag:s29], $0x1  }
0xbb: {  	[sflag:s29] =	ssyncadd.s32 $0xFFFFFFFF  }
0xbc: {  	_ =	strace $0x9000004B  }
0xbd: {  	_ =	sfence  }
0xbe: {  	s30 =	sld [smem:$0x0];
	_ =	sdelay $0x2  }
0xbf: {  	s31 =	sshll.u32 s1, $0xD;
	s1 =	sshrl.u32 s1, $0x2  }
0xc0: {  	s3 =	sand.u32 $0x4000, s31;
	s1 =	sadd.s32 s1, s30  }
0xc1: {  	s0 =	sor.u32 s3, s0;
	s1 =	sshll.u32 s1, $0x11  }
0xc2: {  	s0 =	sor.u32 s1, s0  }
0xc3: {  	s0 =	sadd.s32 $0x8F2B, s0  }
0xc4: {  	[sflag:s0] =	ssyncadd.remote.s32 $0x1  }
0xc5: {  	_ =	sfence.sel $0xFFFF  }
0xc6: {  	[dreg:$0x0] =	wrdreg $0xFFFFFFFF;
	(pc) =	sbr.abs _section_cstart, $3  }
0xc7: {  	[dreg:$0x1] =	wrdreg $0xFFFFFFFF  }
0xc8: {  	_ =	task.clear_ibuf [dreg:s8], $0x2FFFF;
	_ =	strace $0x9FFFFFFF  }
0xc9: {  	(tm) =	ssettm $0x7FFFFFFF  }
tec
execute0_lowered:
.L_overlay_start_1:
0x0: {  	(tag) =	ssettag $0x1  }
0x1: {  	s1 =	rddreg [dreg:$0x0]  }
0x2: {  	s4 =	rddreg [dreg:$0x1]  }
0x3: {  	s5 =	rddreg [dreg:$0x2];
	s3 =	srdreg.scid  }
0x4: {  	s0 =	rddreg [dreg:$0x3];
	s2 =	stileid.u32  }
0x5: {  	s9 =	simm.s32 $0x880;
	s10 =	simm.s32 $0x1080;
	s11 =	simm.s32 $0x1880  }
0x6: {  	s12 =	simm.s32 $0x2080;
	s13 =	simm.s32 $0x2880;
	s14 =	simm.s32 $0x3080  }
0x7: {  	s15 =	simm.s32 $0x3880;
	s16 =	simm.s32 $0x1;
	s17 =	simm.s32 $0x2  }
0x8: {  	s6 =	sand.u32 $0x1, s3;
	s3 =	simm.s32 $0x0;
	s7 =	sshll.u32 s2, $0x7  }
0x9: {  	s8 =	sshll.u32 s6, $0x6;
	[smem:$0x7FF] =	sst s3;
	s6 =	ssub.s32 $0x2, s6  }
0xa: {  	s7 =	sor.u32 s8, s7;
	_ =	strace $0x8000004A;
	s31 =	sshrl.u32 s6, $0x1  }
0xb: {  	v2 =	vlaneseq.u32;
	s8 =	sshrl.u32 s7, $0x3;
	s7 =	sshll.u32 s7, $0x5;
	s6 =	ssub.s32 s6, s31  }
0xc: {  	vm0 =	vmmov $0xffff;
	v1 =	vshrl.u32 v2, $0x3;
	s4 =	sadd.s32 s8, s4;
	s5 =	sadd.s32 s5, s7;
	s6 =	smax.u32 s6, $0x1  }
0xd: {  	v0 =	vand.u32 $0x7, v2;
	v2 =	vor.u32 $0x8, v2;
	v1 =	vmul.u32 $0x8, v1;
	s7 =	simm.s32 $0x3;
	s8 =	simm.s32 $0x80;
	s4 =	sadd.s32 $0xE00, s4  }
.LBB2_1:
0xe: {  	[tilespmem:s3], [sflag:$0x3] =	stream.linear.gather [hbm4b:s4+s3], $0x40, $0x38;
	[tilespmem:$0x4080] =	vst v63  }
0xf: {  	_ =	swait.ge [sflag:s7], $0x40  }
0x10: {  	[sflag:s7] =	ssyncset.done $0x0  }
0x11: {  	[sflag:s7] =	ssyncadd.s32 $0xFFFFFFC0  }
0x12: {  	v3 =	vld [tilespmem:$0x0];
	_ =	sdelay $0x4  }
0x13: {  	v4 =	vshll.u32 v3, $0x1  }
0x14: {  	v3 =	vand.u32 $0x7, v3;
	v4 =	vand.u32 $0xFFFFFFF0, v4  }
0x15: {  	v3 =	vor.u32 v3, v4  }
0x16: {  	v4 =	vperm.xlane v3, v0;
	_ =	sdelay $0x1  }
0x17: {  	v3 =	vperm.xlane v3, v2;
	v4 =	vadd.s32 v1, v4;
	_ =	sdelay $0x1  }
0x18: {  	v3 =	vadd.s32 v1, v3;
	_ =	sdelay $0x2  }
0x19: {  	[tilespmem:s8], [sflag:$0x1] =	stream.indirect_vreg.gather [hbm4b:s1+s3], $0x80, v4, vm0, $0xb8;
	[tilespmem:$0x4080] =	vst v63  }
0x1a: {  	_ = 	snop  }
0x1b: {  	[tilespmem:s9], [sflag:$0x1] =	stream.indirect_vreg.gather [hbm4b:s1+s3], $0x80, v3, vm0, $0xb8;
	[tilespmem:$0x4080] =	vst v63  }
0x1c: {  	v3 =	vld [tilespmem:$0x10];
	_ =	sdelay $0x4  }
0x1d: {  	v61 =	vshll.u32 v3, $0x1  }
0x1e: {  	v3 =	vand.u32 $0x7, v3;
	v4 =	vand.u32 $0xFFFFFFF0, v61  }
0x1f: {  	v3 =	vor.u32 v3, v4  }
0x20: {  	v4 =	vperm.xlane v3, v0;
	_ =	sdelay $0x1  }
0x21: {  	v3 =	vperm.xlane v3, v2;
	v4 =	vadd.s32 v1, v4;
	_ =	sdelay $0x1  }
0x22: {  	v3 =	vadd.s32 v1, v3;
	_ =	sdelay $0x2  }
0x23: {  	[tilespmem:s10], [sflag:$0x1] =	stream.indirect_vreg.gather [hbm4b:s1+s3], $0x80, v4, vm0, $0xb8;
	[tilespmem:$0x4080] =	vst v63  }
0x24: {  	_ = 	snop  }
0x25: {  	[tilespmem:s11], [sflag:$0x1] =	stream.indirect_vreg.gather [hbm4b:s1+s3], $0x80, v3, vm0, $0xb8;
	[tilespmem:$0x4080] =	vst v63  }
0x26: {  	v3 =	vld [tilespmem:$0x20];
	_ =	sdelay $0x4  }
0x27: {  	v62 =	vshll.u32 v3, $0x1  }
0x28: {  	v3 =	vand.u32 $0x7, v3;
	v4 =	vand.u32 $0xFFFFFFF0, v62  }
0x29: {  	v3 =	vor.u32 v3, v4  }
0x2a: {  	v4 =	vperm.xlane v3, v0;
	_ =	sdelay $0x1  }
0x2b: {  	v3 =	vperm.xlane v3, v2;
	v4 =	vadd.s32 v1, v4;
	_ =	sdelay $0x1  }
0x2c: {  	v3 =	vadd.s32 v1, v3;
	_ =	sdelay $0x2  }
0x2d: {  	[tilespmem:s12], [sflag:$0x1] =	stream.indirect_vreg.gather [hbm4b:s1+s3], $0x80, v4, vm0, $0xb8;
	[tilespmem:$0x4080] =	vst v63  }
0x2e: {  	_ = 	snop  }
0x2f: {  	[tilespmem:s13], [sflag:$0x1] =	stream.indirect_vreg.gather [hbm4b:s1+s3], $0x80, v3, vm0, $0xb8;
	[tilespmem:$0x4080] =	vst v63  }
0x30: {  	v3 =	vld [tilespmem:$0x30];
	_ =	sdelay $0x4  }
0x31: {  	v63 =	vshll.u32 v3, $0x1  }
0x32: {  	v3 =	vand.u32 $0x7, v3;
	v4 =	vand.u32 $0xFFFFFFF0, v63  }
0x33: {  	v3 =	vor.u32 v3, v4  }
0x34: {  	v4 =	vperm.xlane v3, v0;
	_ =	sdelay $0x1  }
0x35: {  	v3 =	vperm.xlane v3, v2;
	v4 =	vadd.s32 v1, v4;
	_ =	sdelay $0x1  }
0x36: {  	v3 =	vadd.s32 v1, v3;
	_ =	sdelay $0x2  }
0x37: {  	[tilespmem:s14], [sflag:$0x1] =	stream.indirect_vreg.gather [hbm4b:s1+s3], $0x80, v4, vm0, $0xb8;
	[tilespmem:$0x4080] =	vst v63  }
0x38: {  	_ = 	snop  }
0x39: {  	[tilespmem:s15], [sflag:$0x1] =	stream.indirect_vreg.gather [hbm4b:s1+s3], $0x80, v3, vm0, $0xb8;
	[tilespmem:$0x4080] =	vst v63  }
0x3a: {  	_ =	swait.ge [sflag:s16], $0x4000  }
0x3b: {  	p0 =	sne.s32 s6, $0x1;
	[sflag:s16] =	ssyncset.done $0x0  }
.Ltmp0:
0x3c: {  	[sflag:s16] =	ssyncadd.s32 $0xFFFFC000;
	(pc) =	sbr.rel @p0 .LBB2_1-.Ltmp0, $4  }
0x3d: {  	[hbm4b:s5+s3] =	stream.linear.scatter [tilespmem:s8], [sflag:$0x2], $0x4000, $0x38;
	[tilespmem:$0x4080] =	vst v63  }
0x3e: {  	_ =	swait.ge [sflag:s17], $0x4000  }
0x3f: {  	[sflag:s17] =	ssyncset.done $0x0  }
0x40: {  	s6 =	sadd.s32 $0xFFFFFFFF, s6;
	[sflag:s17] =	ssyncadd.s32 $0xFFFFC000  }
0x41: {  	_ =	sfence.sel $0x180000  }
0x42: {  	[bflag:$0x0] =	sbarrier.arrive $0xFFFF  }
0x43: {  	p0 =	sne.s32 s2, $0x0;
	_ =	strace $0x9000004A  }
0x44: {  	s0 =	sadd.s32 @!p0 $0x100000, s0;
	[bflag:$0x2] =	sbarrier.arrive $0xFFFF  }
0x45: {  	[sflag:s0] =	ssyncadd.tile.s32 @!p0 $0x1;
	_ =	shalt  }
.Lfunc_end2:
_tile_overlayer_lowered:
.L_overlay_start_2:
0x46: {  	(tag) =	ssettag $0x2  }
0x47: {  	s0 =	rddreg [dreg:$0x0];
	s2 =	stileid.u32  }
0x48: {  	s1 =	rddreg [dreg:$0x1];
	p0 =	sne.s32 s2, $0x0  }
0x49: {  	s3 =	rddreg [dreg:$0x2];
	[bflag:$0x3] =	sbarrier.arrive $0xFFFF;
	s2 =	simm.s32 @!p0 $0x1C03  }
0x4a: {  	[timem:s3], [sflag:s2] =	dma.local @!p0 [hbm:s0], s1  }
0x4b: {  	s0 =	simm.s32 @!p0 $0x3  }
0x4c: {  	_ =	swait.ge @!p0 [sflag:s0], s1  }
0x4d: {  	s1 =	ssub.s32 @!p0 $0x0, s1;
	[sflag:s0] =	ssyncset.done @!p0 $0x0  }
0x4e: {  	[sflag:s0] =	ssyncadd.s32 @!p0 s1  }
0x4f: {  	[bflag:$0x3] =	sbarrier.arrive $0xFFFF  }
0x50: {  	_ =	shalt  }

</sc_bundles>
